<compile_context>
chip_gen: v7x
topology: tpu7x:2x2x1
jax: 0.10.2.dev20260603
libtpu: 0.0.44.dev20260713+nightly
codegen_flags: <defaults>
</compile_context>

<pallas_src>
import functools

import jax
import jax.numpy as jnp
from jax import lax
from jax.experimental import pallas as pl
from jax.experimental.pallas import tpu as pltpu
from jax.experimental.pallas import tpu_sc as plsc

N_VOCAB = 49408
N_EMBD = 768
N_TOKEN = 77
BATCH = 1024

NC = 2
NS = 16
NW = NC * NS
LANES = 16

FLAT = BATCH * N_TOKEN
ROWS_W = FLAT // NW
CHUNK = 16
NCH = ROWS_W // CHUNK
DGROUPS = N_EMBD // LANES

_mesh = plsc.VectorSubcoreMesh(
    core_axis_name="c", subcore_axis_name="s", num_cores=NC, num_subcores=NS
)


@functools.partial(
    pl.kernel,
    out_type=jax.ShapeDtypeStruct((FLAT, N_EMBD), jnp.float32),
    mesh=_mesh,
    scratch_types=[
        pltpu.VMEM((ROWS_W,), jnp.int32),
        pltpu.VMEM((N_TOKEN * N_EMBD,), jnp.float32),
        pltpu.VMEM((2, CHUNK, N_EMBD), jnp.float32),
        pltpu.SemaphoreType.DMA,
        pltpu.SemaphoreType.DMA,
        pltpu.SemaphoreType.DMA,
        pltpu.SemaphoreType.DMA,
    ],
)
def _emb_lookup(tok_hbm, tab_hbm, pos_hbm, out_hbm,
                idx_v, pos_v, rows_v, g0, g1, s0, s1):
    gsem = (g0, g1)
    ssem = (s0, s1)
    wid = lax.axis_index("s") * NC + lax.axis_index("c")
    base = wid * ROWS_W

    pltpu.sync_copy(tok_hbm.at[pl.ds(base, ROWS_W)], idx_v)
    pltpu.sync_copy(pos_hbm, pos_v)

    def gather_desc(c, b):
        return pltpu.make_async_copy(
            tab_hbm.at[idx_v.at[pl.ds(c * CHUNK, CHUNK)]], rows_v.at[b], gsem[b]
        )

    def scatter_desc(c, b):
        return pltpu.make_async_copy(
            rows_v.at[b], out_hbm.at[pl.ds(base + c * CHUNK, CHUNK)], ssem[b]
        )

    gather_desc(0, 0).start()

    def pair_body(jj, carry):
        for b in range(2):
            j = jj * 2 + b
            bn = 1 - b

            @pl.when(j >= 1)
            def _():
                scatter_desc(j - 1, bn).wait()

            @pl.when(j + 1 < NCH)
            def _():
                gather_desc(j + 1, bn).start()

            gather_desc(j, b).wait()
            row0 = base + j * CHUNK

            def row_body(i, carry):
                p = (row0 + i) // BATCH
                pbase = p * N_EMBD
                ngrp = DGROUPS // 8
                xs = [pos_v[pl.ds(pbase + d * LANES, LANES)] for d in range(8)]
                for g in range(1, ngrp + 1):
                    if g < ngrp:
                        ys = [pos_v[pl.ds(pbase + (8 * g + d) * LANES, LANES)]
                              for d in range(8)]
                    for d in range(8):
                        plsc.addupdate(
                            rows_v.at[b, i,
                                      pl.ds((8 * (g - 1) + d) * LANES, LANES)],
                            xs[d])
                    if g < ngrp:
                        xs = ys
                return carry

            lax.fori_loop(0, CHUNK, row_body, 0)
            scatter_desc(j, b).start()
        return carry

    lax.fori_loop(0, NCH // 2, pair_body, 0)

    scatter_desc(NCH - 1, (NCH - 1) % 2).wait()


def kernel(tokens, token_embedding, position_value):
    tok_t = tokens.astype(jnp.int32).T.reshape(-1)
    pos = position_value.reshape(-1)
    out_t = _emb_lookup(tok_t, token_embedding, pos)
    return out_t.reshape(N_TOKEN, BATCH, N_EMBD).transpose(1, 0, 2)

# --- scband reference (transcript-rebuilt; emitter-appended) ---
"""Pipeline reference for scband-cliptext-embedding-22849226015474 (READ-ONLY COPY).

The authoritative reference and input builder live on the scoring server;
editing this copy changes nothing except your own understanding.
"""

import jax, jax.numpy as jnp
import numpy as np

N_VOCAB = 49408
N_EMBD = 768
N_TOKEN = 77
BATCH = 1024

def setup_inputs(seed: int = 0) -> dict:
    key = jax.random.key(seed)
    k1, k2, k3 = jax.random.split(key, 3)
    tokens = jax.random.randint(k1, (BATCH, N_TOKEN), 0, N_VOCAB, dtype=jnp.int64 if jax.config.jax_enable_x64 else jnp.int32)
    token_embedding = jax.random.normal(k2, (N_VOCAB, N_EMBD), dtype=jnp.float32) * 0.02
    position_value = jax.random.normal(k3, (N_TOKEN, N_EMBD), dtype=jnp.float32) * 0.01
    return {"tokens": tokens, "token_embedding": token_embedding, "position_value": position_value}

def reference(tokens, token_embedding, position_value):
    # x = self.token_embedding(tokens)
    x = jnp.take(token_embedding, tokens, axis=0)  # [B, n_token, n_embd]
    # x += self.position_value (broadcast over batch)
    x = x + position_value[None, :, :]
    return x

if __name__ == "__main__":
    import jax
    _d = setup_inputs()
    print(jax.jit(kernel)(*tuple(_d.values())))

</pallas_src>

<mosaic_0001>
#map = affine_map<(d0, d1) -> (0)>
#map1 = affine_map<(d0, d1) -> (0, 0)>
module attributes {stable_mosaic.version = 14 : i64} {
  func.func @_emb_lookup(%arg0: i32, %arg1: i32, %arg2: memref<78848xi32, #tpu.memory_space<hbm>>, %arg3: memref<49408x768xf32, #tpu.memory_space<hbm>>, %arg4: memref<59136xf32, #tpu.memory_space<hbm>>, %arg5: memref<78848x768xf32, #tpu.memory_space<hbm>>, %arg6: memref<2464xi32, #tpu.memory_space<vmem>>, %arg7: memref<59136xf32, #tpu.memory_space<vmem>>, %arg8: memref<2x16x768xf32, #tpu.memory_space<vmem>>, %arg9: memref<!tpu.dma_semaphore, #tpu.memory_space<semaphore_mem>>, %arg10: memref<!tpu.dma_semaphore, #tpu.memory_space<semaphore_mem>>, %arg11: memref<!tpu.dma_semaphore, #tpu.memory_space<semaphore_mem>>, %arg12: memref<!tpu.dma_semaphore, #tpu.memory_space<semaphore_mem>>) attributes {dimension_semantics = [#tpu.dimension_semantics<core_parallel>, #tpu.dimension_semantics<subcore_parallel>], iteration_bounds = array<i64: 2, 16>, scalar_prefetch = 0 : i64, scratch_operands = 7 : i64, tpu.core_type = #tpu.core_type<sc_vector_subcore>, window_params = [{transform_indices = #map}, {transform_indices = #map1}, {transform_indices = #map}, {transform_indices = #map1}]} {
    %mul3A = arith.constant 2 : i32
    %mul3A_0 = arith.muli %arg1, %mul3A : i32
    %add3A = arith.addi %mul3A_0, %arg0 : i32
    %mul3A_1 = arith.constant 2464 : i32
    %mul3A_2 = arith.muli %add3A, %mul3A_1 : i32
    "tpu.region"() ({
      %run_scoped3A = tpu.sem_alloc : memref<!tpu.dma_semaphore, #tpu.memory_space<semaphore_mem>>
      %dma_start3A_31 = tpu.memref_slice %arg2[%mul3A_2] : memref<78848xi32, #tpu.memory_space<hbm>> -> memref<2464xi32, #tpu.memory_space<hbm>>
      %dma_start3A_32 = tpu.memref_slice %arg2[%mul3A_2] : memref<78848xi32, #tpu.memory_space<hbm>> -> memref<2464xi32, #tpu.memory_space<hbm>>
      tpu.enqueue_dma source(%dma_start3A_32 : memref<2464xi32, #tpu.memory_space<hbm>>) target(%arg6 : memref<2464xi32, #tpu.memory_space<vmem>>) target_semaphore(%run_scoped3A : memref<!tpu.dma_semaphore, #tpu.memory_space<semaphore_mem>>)
      %dma_wait3A_33 = tpu.memref_slice %arg2[%mul3A_2] : memref<78848xi32, #tpu.memory_space<hbm>> -> memref<2464xi32, #tpu.memory_space<hbm>>
      %dma_wait3A_34 = tpu.memref_slice %arg2[%mul3A_2] : memref<78848xi32, #tpu.memory_space<hbm>> -> memref<2464xi32, #tpu.memory_space<hbm>>
      tpu.wait_dma2 semaphore(%run_scoped3A : memref<!tpu.dma_semaphore, #tpu.memory_space<semaphore_mem>>) src(%dma_wait3A_34 : memref<2464xi32, #tpu.memory_space<hbm>>) dst(%arg6 : memref<2464xi32, #tpu.memory_space<vmem>>)
      tpu.yield
    }) : () -> ()
    "tpu.region"() ({
      %run_scoped3A = tpu.sem_alloc : memref<!tpu.dma_semaphore, #tpu.memory_space<semaphore_mem>>
      tpu.enqueue_dma source(%arg4 : memref<59136xf32, #tpu.memory_space<hbm>>) target(%arg7 : memref<59136xf32, #tpu.memory_space<vmem>>) target_semaphore(%run_scoped3A : memref<!tpu.dma_semaphore, #tpu.memory_space<semaphore_mem>>)
      tpu.wait_dma2 semaphore(%run_scoped3A : memref<!tpu.dma_semaphore, #tpu.memory_space<semaphore_mem>>) src(%arg4 : memref<59136xf32, #tpu.memory_space<hbm>>) dst(%arg7 : memref<59136xf32, #tpu.memory_space<vmem>>)
      tpu.yield
    }) : () -> ()
    %dma_start3A = arith.constant 0 : i32
    %dma_start3A_3 = arith.constant 0 : i32
    %dma_start3A_4 = arith.constant 0 : i32
    %dma_start3A_5 = tpu.memref_slice %arg8[%dma_start3A, %dma_start3A_3, %dma_start3A_4] : memref<2x16x768xf32, #tpu.memory_space<vmem>> -> memref<1x16x768xf32, #tpu.memory_space<vmem>>
    %dma_start3A_6 = tpu.memref_squeeze %dma_start3A_5 : memref<1x16x768xf32, #tpu.memory_space<vmem>> -> memref<16x768xf32, #tpu.memory_space<vmem>>
    %dma_start3A_7 = arith.constant 0 : i32
    %dma_start3A_8 = tpu.memref_slice %arg6[%dma_start3A_7] : memref<2464xi32, #tpu.memory_space<vmem>> -> memref<16xi32, #tpu.memory_space<vmem>>
    %dma_start3A_9 = arith.constant 0 : i32
    %dma_start3A_10 = arith.constant 0 : i32
    %dma_start3A_11 = tpu.memref_slice %arg3[%dma_start3A_9, %dma_start3A_10] : memref<49408x768xf32, #tpu.memory_space<hbm>> -> memref<49408x768xf32, #tpu.memory_space<hbm>>
    tpu.enqueue_indirect_dma source(%dma_start3A_11 : memref<49408x768xf32, #tpu.memory_space<hbm>>) target(%dma_start3A_6 : memref<16x768xf32, #tpu.memory_space<vmem>>) offsets(%dma_start3A_8 : memref<16xi32, #tpu.memory_space<vmem>>) semaphore(%arg9 : memref<!tpu.dma_semaphore, #tpu.memory_space<semaphore_mem>>)
    %scan3A = arith.constant 0 : i32
    %scan3A_12 = arith.constant 0 : i32
    %scan3A_13 = arith.constant 77 : i32
    %scan3A_14 = arith.addi %scan3A_12, %scan3A_13 : i32
    %scan3A_15 = arith.constant 1 : i32
    scf.for %scan3A_31 = %scan3A_12 to %scan3A_14 step %scan3A_15  : i32 {
      %mul3A_32 = arith.constant 2 : i32
      %mul3A_33 = arith.muli %scan3A_31, %mul3A_32 : i32
      %add3A_34 = arith.constant 0 : i32
      %add3A_35 = arith.addi %mul3A_33, %add3A_34 : i32
      %ge3A = arith.constant 1 : i32
      %ge3A_36 = arith.cmpi sge, %add3A_35, %ge3A : i32
      %convert_element_type3A = arith.extui %ge3A_36 : i1 to i32
      %cond3A = arith.constant 0 : i32
      %cond3A_37 = arith.cmpi ne, %convert_element_type3A, %cond3A : i32
      scf.if %cond3A_37 {
        %sub3A = arith.constant 1 : i32
        %sub3A_132 = arith.subi %add3A_35, %sub3A : i32
        %mul3A_133 = arith.constant 16 : i32
        %mul3A_134 = arith.muli %sub3A_132, %mul3A_133 : i32
        %add3A_135 = arith.addi %mul3A_2, %mul3A_134 : i32
        %dma_wait3A_136 = arith.constant 1 : i32
        %dma_wait3A_137 = arith.constant 0 : i32
        %dma_wait3A_138 = arith.constant 0 : i32
        %dma_wait3A_139 = tpu.memref_slice %arg8[%dma_wait3A_136, %dma_wait3A_137, %dma_wait3A_138] : memref<2x16x768xf32, #tpu.memory_space<vmem>> -> memref<1x16x768xf32, #tpu.memory_space<vmem>>
        %dma_wait3A_140 = tpu.memref_squeeze %dma_wait3A_139 : memref<1x16x768xf32, #tpu.memory_space<vmem>> -> memref<16x768xf32, #tpu.memory_space<vmem>>
        %dma_wait3A_141 = arith.constant 0 : i32
        %dma_wait3A_142 = tpu.memref_slice %arg5[%add3A_135, %dma_wait3A_141] : memref<78848x768xf32, #tpu.memory_space<hbm>> -> memref<16x768xf32, #tpu.memory_space<hbm>>
        %dma_wait3A_143 = arith.constant 0 : i32
        %dma_wait3A_144 = tpu.memref_slice %arg5[%add3A_135, %dma_wait3A_143] : memref<78848x768xf32, #tpu.memory_space<hbm>> -> memref<16x768xf32, #tpu.memory_space<hbm>>
        %dma_wait3A_145 = arith.constant 0 : i32
        %dma_wait3A_146 = arith.constant 0 : i32
        %dma_wait3A_147 = tpu.memref_slice %arg8[%dma_wait3A_136, %dma_wait3A_145, %dma_wait3A_146] : memref<2x16x768xf32, #tpu.memory_space<vmem>> -> memref<1x16x768xf32, #tpu.memory_space<vmem>>
        %dma_wait3A_148 = tpu.memref_squeeze %dma_wait3A_147 : memref<1x16x768xf32, #tpu.memory_space<vmem>> -> memref<16x768xf32, #tpu.memory_space<vmem>>
        tpu.wait_dma2 semaphore(%arg12 : memref<!tpu.dma_semaphore, #tpu.memory_space<semaphore_mem>>) src(%dma_wait3A_148 : memref<16x768xf32, #tpu.memory_space<vmem>>) dst(%dma_wait3A_144 : memref<16x768xf32, #tpu.memory_space<hbm>>)
      } else {
      }
      %add3A_38 = arith.constant 1 : i32
      %add3A_39 = arith.addi %add3A_35, %add3A_38 : i32
      %lt3A = arith.constant 154 : i32
      %lt3A_40 = arith.cmpi slt, %add3A_39, %lt3A : i32
      %convert_element_type3A_41 = arith.extui %lt3A_40 : i1 to i32
      %cond3A_42 = arith.constant 0 : i32
      %cond3A_43 = arith.cmpi ne, %convert_element_type3A_41, %cond3A_42 : i32
      scf.if %cond3A_43 {
        %add3A_132 = arith.constant 1 : i32
        %add3A_133 = arith.addi %add3A_35, %add3A_132 : i32
        %mul3A_134 = arith.constant 16 : i32
        %mul3A_135 = arith.muli %add3A_133, %mul3A_134 : i32
        %dma_start3A_136 = arith.constant 1 : i32
        %dma_start3A_137 = arith.constant 0 : i32
        %dma_start3A_138 = arith.constant 0 : i32
        %dma_start3A_139 = tpu.memref_slice %arg8[%dma_start3A_136, %dma_start3A_137, %dma_start3A_138] : memref<2x16x768xf32, #tpu.memory_space<vmem>> -> memref<1x16x768xf32, #tpu.memory_space<vmem>>
        %dma_start3A_140 = tpu.memref_squeeze %dma_start3A_139 : memref<1x16x768xf32, #tpu.memory_space<vmem>> -> memref<16x768xf32, #tpu.memory_space<vmem>>
        %dma_start3A_141 = tpu.memref_slice %arg6[%mul3A_135] : memref<2464xi32, #tpu.memory_space<vmem>> -> memref<16xi32, #tpu.memory_space<vmem>>
        %dma_start3A_142 = arith.constant 0 : i32
        %dma_start3A_143 = arith.constant 0 : i32
        %dma_start3A_144 = tpu.memref_slice %arg3[%dma_start3A_142, %dma_start3A_143] : memref<49408x768xf32, #tpu.memory_space<hbm>> -> memref<49408x768xf32, #tpu.memory_space<hbm>>
        tpu.enqueue_indirect_dma source(%dma_start3A_144 : memref<49408x768xf32, #tpu.memory_space<hbm>>) target(%dma_start3A_140 : memref<16x768xf32, #tpu.memory_space<vmem>>) offsets(%dma_start3A_141 : memref<16xi32, #tpu.memory_space<vmem>>) semaphore(%arg10 : memref<!tpu.dma_semaphore, #tpu.memory_space<semaphore_mem>>)
      } else {
      }
      %mul3A_44 = arith.constant 16 : i32
      %mul3A_45 = arith.muli %add3A_35, %mul3A_44 : i32
      %dma_wait3A_46 = arith.constant 0 : i32
      %dma_wait3A_47 = arith.constant 0 : i32
      %dma_wait3A_48 = arith.constant 0 : i32
      %dma_wait3A_49 = tpu.memref_slice %arg8[%dma_wait3A_46, %dma_wait3A_47, %dma_wait3A_48] : memref<2x16x768xf32, #tpu.memory_space<vmem>> -> memref<1x16x768xf32, #tpu.memory_space<vmem>>
      %dma_wait3A_50 = tpu.memref_squeeze %dma_wait3A_49 : memref<1x16x768xf32, #tpu.memory_space<vmem>> -> memref<16x768xf32, #tpu.memory_space<vmem>>
      %dma_wait3A_51 = tpu.memref_slice %arg6[%mul3A_45] : memref<2464xi32, #tpu.memory_space<vmem>> -> memref<16xi32, #tpu.memory_space<vmem>>
      %dma_wait3A_52 = arith.constant 0 : i32
      %dma_wait3A_53 = arith.constant 0 : i32
      %dma_wait3A_54 = tpu.memref_slice %arg3[%dma_wait3A_52, %dma_wait3A_53] : memref<49408x768xf32, #tpu.memory_space<hbm>> -> memref<49408x768xf32, #tpu.memory_space<hbm>>
      tpu.wait_indirect_dma semaphore(%arg9 : memref<!tpu.dma_semaphore, #tpu.memory_space<semaphore_mem>>) src(%dma_wait3A_54 : memref<49408x768xf32, #tpu.memory_space<hbm>>) dst(%dma_wait3A_50 : memref<16x768xf32, #tpu.memory_space<vmem>>)
      %mul3A_55 = arith.constant 16 : i32
      %mul3A_56 = arith.muli %add3A_35, %mul3A_55 : i32
      %add3A_57 = arith.addi %mul3A_2, %mul3A_56 : i32
      %scan3A_58 = arith.constant 0 : i32
      %scan3A_59 = arith.constant 0 : i32
      %scan3A_60 = arith.constant 16 : i32
      %scan3A_61 = arith.addi %scan3A_59, %scan3A_60 : i32
      %scan3A_62 = arith.constant 1 : i32
      scf.for %scan3A_132 = %scan3A_59 to %scan3A_61 step %scan3A_62  : i32 {
        %add3A_133 = arith.addi %add3A_57, %scan3A_132 : i32
        %jit3A = arith.constant 1024 : i32
        %div3A = arith.divsi %add3A_133, %jit3A : i32
        %sign3A = arith.constant 0 : i32
        %sign3A_134 = arith.cmpi sgt, %add3A_133, %sign3A : i32
        %sign3A_135 = arith.extui %sign3A_134 : i1 to i32
        %sign3A_136 = arith.constant 0 : i32
        %sign3A_137 = arith.cmpi slt, %add3A_133, %sign3A_136 : i32
        %sign3A_138 = arith.extui %sign3A_137 : i1 to i32
        %sign3A_139 = arith.subi %sign3A_135, %sign3A_138 : i32
        %sign3A_140 = arith.constant 0 : i32
        %sign3A_141 = arith.cmpi sgt, %jit3A, %sign3A_140 : i32
        %sign3A_142 = arith.extui %sign3A_141 : i1 to i32
        %sign3A_143 = arith.constant 0 : i32
        %sign3A_144 = arith.cmpi slt, %jit3A, %sign3A_143 : i32
        %sign3A_145 = arith.extui %sign3A_144 : i1 to i32
        %sign3A_146 = arith.subi %sign3A_142, %sign3A_145 : i32
        %ne3A = arith.cmpi ne, %sign3A_139, %sign3A_146 : i32
        %rem3A = arith.remsi %add3A_133, %jit3A : i32
        %ne3A_147 = arith.constant 0 : i32
        %ne3A_148 = arith.cmpi ne, %rem3A, %ne3A_147 : i32
        %and3A = arith.andi %ne3A, %ne3A_148 : i1
        %sub3A = arith.constant 1 : i32
        %sub3A_149 = arith.subi %div3A, %sub3A : i32
        %select_n3A = arith.select %and3A, %sub3A_149, %div3A : i32
        %mul3A_150 = arith.constant 768 : i32
        %mul3A_151 = arith.muli %select_n3A, %mul3A_150 : i32
        %add3A_152 = arith.constant 0 : i32
        %add3A_153 = arith.addi %mul3A_151, %add3A_152 : i32
        %get3A = arith.index_cast %add3A_153 : i32 to index
        %get3A_154 = tpu.vector_load %arg7[%get3A] {strides = array<i32>} : memref<59136xf32, #tpu.memory_space<vmem>>, vector<16xf32>,
        %get3A_155 = vector.shape_cast %get3A_154 : vector<16xf32> to vector<16xf32>
        %add3A_156 = arith.constant 16 : i32
        %add3A_157 = arith.addi %mul3A_151, %add3A_156 : i32
        %get3A_158 = arith.index_cast %add3A_157 : i32 to index
        %get3A_159 = tpu.vector_load %arg7[%get3A_158] {strides = array<i32>} : memref<59136xf32, #tpu.memory_space<vmem>>, vector<16xf32>,
        %get3A_160 = vector.shape_cast %get3A_159 : vector<16xf32> to vector<16xf32>
        %add3A_161 = arith.constant 32 : i32
        %add3A_162 = arith.addi %mul3A_151, %add3A_161 : i32
        %get3A_163 = arith.index_cast %add3A_162 : i32 to index
        %get3A_164 = tpu.vector_load %arg7[%get3A_163] {strides = array<i32>} : memref<59136xf32, #tpu.memory_space<vmem>>, vector<16xf32>,
        %get3A_165 = vector.shape_cast %get3A_164 : vector<16xf32> to vector<16xf32>
        %add3A_166 = arith.constant 48 : i32
        %add3A_167 = arith.addi %mul3A_151, %add3A_166 : i32
        %get3A_168 = arith.index_cast %add3A_167 : i32 to index
        %get3A_169 = tpu.vector_load %arg7[%get3A_168] {strides = array<i32>} : memref<59136xf32, #tpu.memory_space<vmem>>, vector<16xf32>,
        %get3A_170 = vector.shape_cast %get3A_169 : vector<16xf32> to vector<16xf32>
        %add3A_171 = arith.constant 64 : i32
        %add3A_172 = arith.addi %mul3A_151, %add3A_171 : i32
        %get3A_173 = arith.index_cast %add3A_172 : i32 to index
        %get3A_174 = tpu.vector_load %arg7[%get3A_173] {strides = array<i32>} : memref<59136xf32, #tpu.memory_space<vmem>>, vector<16xf32>,
        %get3A_175 = vector.shape_cast %get3A_174 : vector<16xf32> to vector<16xf32>
        %add3A_176 = arith.constant 80 : i32
        %add3A_177 = arith.addi %mul3A_151, %add3A_176 : i32
        %get3A_178 = arith.index_cast %add3A_177 : i32 to index
        %get3A_179 = tpu.vector_load %arg7[%get3A_178] {strides = array<i32>} : memref<59136xf32, #tpu.memory_space<vmem>>, vector<16xf32>,
        %get3A_180 = vector.shape_cast %get3A_179 : vector<16xf32> to vector<16xf32>
        %add3A_181 = arith.constant 96 : i32
        %add3A_182 = arith.addi %mul3A_151, %add3A_181 : i32
        %get3A_183 = arith.index_cast %add3A_182 : i32 to index
        %get3A_184 = tpu.vector_load %arg7[%get3A_183] {strides = array<i32>} : memref<59136xf32, #tpu.memory_space<vmem>>, vector<16xf32>,
        %get3A_185 = vector.shape_cast %get3A_184 : vector<16xf32> to vector<16xf32>
        %add3A_186 = arith.constant 112 : i32
        %add3A_187 = arith.addi %mul3A_151, %add3A_186 : i32
        %get3A_188 = arith.index_cast %add3A_187 : i32 to index
        %get3A_189 = tpu.vector_load %arg7[%get3A_188] {strides = array<i32>} : memref<59136xf32, #tpu.memory_space<vmem>>, vector<16xf32>,
        %get3A_190 = vector.shape_cast %get3A_189 : vector<16xf32> to vector<16xf32>
        %add3A_191 = arith.constant 128 : i32
        %add3A_192 = arith.addi %mul3A_151, %add3A_191 : i32
        %get3A_193 = arith.index_cast %add3A_192 : i32 to index
        %get3A_194 = tpu.vector_load %arg7[%get3A_193] {strides = array<i32>} : memref<59136xf32, #tpu.memory_space<vmem>>, vector<16xf32>,
        %get3A_195 = vector.shape_cast %get3A_194 : vector<16xf32> to vector<16xf32>
        %add3A_196 = arith.constant 144 : i32
        %add3A_197 = arith.addi %mul3A_151, %add3A_196 : i32
        %get3A_198 = arith.index_cast %add3A_197 : i32 to index
        %get3A_199 = tpu.vector_load %arg7[%get3A_198] {strides = array<i32>} : memref<59136xf32, #tpu.memory_space<vmem>>, vector<16xf32>,
        %get3A_200 = vector.shape_cast %get3A_199 : vector<16xf32> to vector<16xf32>
        %add3A_201 = arith.constant 160 : i32
        %add3A_202 = arith.addi %mul3A_151, %add3A_201 : i32
        %get3A_203 = arith.index_cast %add3A_202 : i32 to index
        %get3A_204 = tpu.vector_load %arg7[%get3A_203] {strides = array<i32>} : memref<59136xf32, #tpu.memory_space<vmem>>, vector<16xf32>,
        %get3A_205 = vector.shape_cast %get3A_204 : vector<16xf32> to vector<16xf32>
        %add3A_206 = arith.constant 176 : i32
        %add3A_207 = arith.addi %mul3A_151, %add3A_206 : i32
        %get3A_208 = arith.index_cast %add3A_207 : i32 to index
        %get3A_209 = tpu.vector_load %arg7[%get3A_208] {strides = array<i32>} : memref<59136xf32, #tpu.memory_space<vmem>>, vector<16xf32>,
        %get3A_210 = vector.shape_cast %get3A_209 : vector<16xf32> to vector<16xf32>
        %add3A_211 = arith.constant 192 : i32
        %add3A_212 = arith.addi %mul3A_151, %add3A_211 : i32
        %get3A_213 = arith.index_cast %add3A_212 : i32 to index
        %get3A_214 = tpu.vector_load %arg7[%get3A_213] {strides = array<i32>} : memref<59136xf32, #tpu.memory_space<vmem>>, vector<16xf32>,
        %get3A_215 = vector.shape_cast %get3A_214 : vector<16xf32> to vector<16xf32>
        %add3A_216 = arith.constant 208 : i32
        %add3A_217 = arith.addi %mul3A_151, %add3A_216 : i32
        %get3A_218 = arith.index_cast %add3A_217 : i32 to index
        %get3A_219 = tpu.vector_load %arg7[%get3A_218] {strides = array<i32>} : memref<59136xf32, #tpu.memory_space<vmem>>, vector<16xf32>,
        %get3A_220 = vector.shape_cast %get3A_219 : vector<16xf32> to vector<16xf32>
        %add3A_221 = arith.constant 224 : i32
        %add3A_222 = arith.addi %mul3A_151, %add3A_221 : i32
        %get3A_223 = arith.index_cast %add3A_222 : i32 to index
        %get3A_224 = tpu.vector_load %arg7[%get3A_223] {strides = array<i32>} : memref<59136xf32, #tpu.memory_space<vmem>>, vector<16xf32>,
        %get3A_225 = vector.shape_cast %get3A_224 : vector<16xf32> to vector<16xf32>
        %add3A_226 = arith.constant 240 : i32
        %add3A_227 = arith.addi %mul3A_151, %add3A_226 : i32
        %get3A_228 = arith.index_cast %add3A_227 : i32 to index
        %get3A_229 = tpu.vector_load %arg7[%get3A_228] {strides = array<i32>} : memref<59136xf32, #tpu.memory_space<vmem>>, vector<16xf32>,
        %get3A_230 = vector.shape_cast %get3A_229 : vector<16xf32> to vector<16xf32>
        %swap3A = arith.constant 0 : i32
        %swap3A_231 = arith.index_cast %swap3A : i32 to index
        %swap3A_232 = arith.index_cast %scan3A_132 : i32 to index
        %swap3A_233 = arith.constant 0 : index
        %swap3A_234 = tpu.vector_load %arg8[%swap3A_231, %swap3A_232, %swap3A_233] {strides = array<i32>} : memref<2x16x768xf32, #tpu.memory_space<vmem>>, vector<1x1x16xf32>,
        %swap3A_235 = vector.shape_cast %swap3A_234 : vector<1x1x16xf32> to vector<16xf32>
        %swap3A_236 = vector.shape_cast %get3A_155 : vector<16xf32> to vector<1x1x16xf32>
        tpu.vector_store %arg8[%swap3A_231, %swap3A_232, %swap3A_233], %swap3A_236 {add = true, strides = array<i32>} : memref<2x16x768xf32, #tpu.memory_space<vmem>>, vector<1x1x16xf32>,
        %swap3A_237 = arith.constant 0 : i32
        %swap3A_238 = arith.index_cast %swap3A_237 : i32 to index
        %swap3A_239 = arith.index_cast %scan3A_132 : i32 to index
        %swap3A_240 = arith.constant 16 : index
        %swap3A_241 = tpu.vector_load %arg8[%swap3A_238, %swap3A_239, %swap3A_240] {strides = array<i32>} : memref<2x16x768xf32, #tpu.memory_space<vmem>>, vector<1x1x16xf32>,
        %swap3A_242 = vector.shape_cast %swap3A_241 : vector<1x1x16xf32> to vector<16xf32>
        %swap3A_243 = vector.shape_cast %get3A_160 : vector<16xf32> to vector<1x1x16xf32>
        tpu.vector_store %arg8[%swap3A_238, %swap3A_239, %swap3A_240], %swap3A_243 {add = true, strides = array<i32>} : memref<2x16x768xf32, #tpu.memory_space<vmem>>, vector<1x1x16xf32>,
        %swap3A_244 = arith.constant 0 : i32
        %swap3A_245 = arith.index_cast %swap3A_244 : i32 to index
        %swap3A_246 = arith.index_cast %scan3A_132 : i32 to index
        %swap3A_247 = arith.constant 32 : index
        %swap3A_248 = tpu.vector_load %arg8[%swap3A_245, %swap3A_246, %swap3A_247] {strides = array<i32>} : memref<2x16x768xf32, #tpu.memory_space<vmem>>, vector<1x1x16xf32>,
        %swap3A_249 = vector.shape_cast %swap3A_248 : vector<1x1x16xf32> to vector<16xf32>
        %swap3A_250 = vector.shape_cast %get3A_165 : vector<16xf32> to vector<1x1x16xf32>
        tpu.vector_store %arg8[%swap3A_245, %swap3A_246, %swap3A_247], %swap3A_250 {add = true, strides = array<i32>} : memref<2x16x768xf32, #tpu.memory_space<vmem>>, vector<1x1x16xf32>,
        %swap3A_251 = arith.constant 0 : i32
        %swap3A_252 = arith.index_cast %swap3A_251 : i32 to index
        %swap3A_253 = arith.index_cast %scan3A_132 : i32 to index
        %swap3A_254 = arith.constant 48 : index
        %swap3A_255 = tpu.vector_load %arg8[%swap3A_252, %swap3A_253, %swap3A_254] {strides = array<i32>} : memref<2x16x768xf32, #tpu.memory_space<vmem>>, vector<1x1x16xf32>,
        %swap3A_256 = vector.shape_cast %swap3A_255 : vector<1x1x16xf32> to vector<16xf32>
        %swap3A_257 = vector.shape_cast %get3A_170 : vector<16xf32> to vector<1x1x16xf32>
        tpu.vector_store %arg8[%swap3A_252, %swap3A_253, %swap3A_254], %swap3A_257 {add = true, strides = array<i32>} : memref<2x16x768xf32, #tpu.memory_space<vmem>>, vector<1x1x16xf32>,
        %swap3A_258 = arith.constant 0 : i32
        %swap3A_259 = arith.index_cast %swap3A_258 : i32 to index
        %swap3A_260 = arith.index_cast %scan3A_132 : i32 to index
        %swap3A_261 = arith.constant 64 : index
        %swap3A_262 = tpu.vector_load %arg8[%swap3A_259, %swap3A_260, %swap3A_261] {strides = array<i32>} : memref<2x16x768xf32, #tpu.memory_space<vmem>>, vector<1x1x16xf32>,
        %swap3A_263 = vector.shape_cast %swap3A_262 : vector<1x1x16xf32> to vector<16xf32>
        %swap3A_264 = vector.shape_cast %get3A_175 : vector<16xf32> to vector<1x1x16xf32>
        tpu.vector_store %arg8[%swap3A_259, %swap3A_260, %swap3A_261], %swap3A_264 {add = true, strides = array<i32>} : memref<2x16x768xf32, #tpu.memory_space<vmem>>, vector<1x1x16xf32>,
        %swap3A_265 = arith.constant 0 : i32
        %swap3A_266 = arith.index_cast %swap3A_265 : i32 to index
        %swap3A_267 = arith.index_cast %scan3A_132 : i32 to index
        %swap3A_268 = arith.constant 80 : index
        %swap3A_269 = tpu.vector_load %arg8[%swap3A_266, %swap3A_267, %swap3A_268] {strides = array<i32>} : memref<2x16x768xf32, #tpu.memory_space<vmem>>, vector<1x1x16xf32>,
        %swap3A_270 = vector.shape_cast %swap3A_269 : vector<1x1x16xf32> to vector<16xf32>
        %swap3A_271 = vector.shape_cast %get3A_180 : vector<16xf32> to vector<1x1x16xf32>
        tpu.vector_store %arg8[%swap3A_266, %swap3A_267, %swap3A_268], %swap3A_271 {add = true, strides = array<i32>} : memref<2x16x768xf32, #tpu.memory_space<vmem>>, vector<1x1x16xf32>,
        %swap3A_272 = arith.constant 0 : i32
        %swap3A_273 = arith.index_cast %swap3A_272 : i32 to index
        %swap3A_274 = arith.index_cast %scan3A_132 : i32 to index
        %swap3A_275 = arith.constant 96 : index
        %swap3A_276 = tpu.vector_load %arg8[%swap3A_273, %swap3A_274, %swap3A_275] {strides = array<i32>} : memref<2x16x768xf32, #tpu.memory_space<vmem>>, vector<1x1x16xf32>,
        %swap3A_277 = vector.shape_cast %swap3A_276 : vector<1x1x16xf32> to vector<16xf32>
        %swap3A_278 = vector.shape_cast %get3A_185 : vector<16xf32> to vector<1x1x16xf32>
        tpu.vector_store %arg8[%swap3A_273, %swap3A_274, %swap3A_275], %swap3A_278 {add = true, strides = array<i32>} : memref<2x16x768xf32, #tpu.memory_space<vmem>>, vector<1x1x16xf32>,
        %swap3A_279 = arith.constant 0 : i32
        %swap3A_280 = arith.index_cast %swap3A_279 : i32 to index
        %swap3A_281 = arith.index_cast %scan3A_132 : i32 to index
        %swap3A_282 = arith.constant 112 : index
        %swap3A_283 = tpu.vector_load %arg8[%swap3A_280, %swap3A_281, %swap3A_282] {strides = array<i32>} : memref<2x16x768xf32, #tpu.memory_space<vmem>>, vector<1x1x16xf32>,
        %swap3A_284 = vector.shape_cast %swap3A_283 : vector<1x1x16xf32> to vector<16xf32>
        %swap3A_285 = vector.shape_cast %get3A_190 : vector<16xf32> to vector<1x1x16xf32>
        tpu.vector_store %arg8[%swap3A_280, %swap3A_281, %swap3A_282], %swap3A_285 {add = true, strides = array<i32>} : memref<2x16x768xf32, #tpu.memory_space<vmem>>, vector<1x1x16xf32>,
        %add3A_286 = arith.constant 256 : i32
        %add3A_287 = arith.addi %mul3A_151, %add3A_286 : i32
        %get3A_288 = arith.index_cast %add3A_287 : i32 to index
        %get3A_289 = tpu.vector_load %arg7[%get3A_288] {strides = array<i32>} : memref<59136xf32, #tpu.memory_space<vmem>>, vector<16xf32>,
        %get3A_290 = vector.shape_cast %get3A_289 : vector<16xf32> to vector<16xf32>
        %add3A_291 = arith.constant 272 : i32
        %add3A_292 = arith.addi %mul3A_151, %add3A_291 : i32
        %get3A_293 = arith.index_cast %add3A_292 : i32 to index
        %get3A_294 = tpu.vector_load %arg7[%get3A_293] {strides = array<i32>} : memref<59136xf32, #tpu.memory_space<vmem>>, vector<16xf32>,
        %get3A_295 = vector.shape_cast %get3A_294 : vector<16xf32> to vector<16xf32>
        %add3A_296 = arith.constant 288 : i32
        %add3A_297 = arith.addi %mul3A_151, %add3A_296 : i32
        %get3A_298 = arith.index_cast %add3A_297 : i32 to index
        %get3A_299 = tpu.vector_load %arg7[%get3A_298] {strides = array<i32>} : memref<59136xf32, #tpu.memory_space<vmem>>, vector<16xf32>,
        %get3A_300 = vector.shape_cast %get3A_299 : vector<16xf32> to vector<16xf32>
        %add3A_301 = arith.constant 304 : i32
        %add3A_302 = arith.addi %mul3A_151, %add3A_301 : i32
        %get3A_303 = arith.index_cast %add3A_302 : i32 to index
        %get3A_304 = tpu.vector_load %arg7[%get3A_303] {strides = array<i32>} : memref<59136xf32, #tpu.memory_space<vmem>>, vector<16xf32>,
        %get3A_305 = vector.shape_cast %get3A_304 : vector<16xf32> to vector<16xf32>
        %add3A_306 = arith.constant 320 : i32
        %add3A_307 = arith.addi %mul3A_151, %add3A_306 : i32
        %get3A_308 = arith.index_cast %add3A_307 : i32 to index
        %get3A_309 = tpu.vector_load %arg7[%get3A_308] {strides = array<i32>} : memref<59136xf32, #tpu.memory_space<vmem>>, vector<16xf32>,
        %get3A_310 = vector.shape_cast %get3A_309 : vector<16xf32> to vector<16xf32>
        %add3A_311 = arith.constant 336 : i32
        %add3A_312 = arith.addi %mul3A_151, %add3A_311 : i32
        %get3A_313 = arith.index_cast %add3A_312 : i32 to index
        %get3A_314 = tpu.vector_load %arg7[%get3A_313] {strides = array<i32>} : memref<59136xf32, #tpu.memory_space<vmem>>, vector<16xf32>,
        %get3A_315 = vector.shape_cast %get3A_314 : vector<16xf32> to vector<16xf32>
        %add3A_316 = arith.constant 352 : i32
        %add3A_317 = arith.addi %mul3A_151, %add3A_316 : i32
        %get3A_318 = arith.index_cast %add3A_317 : i32 to index
        %get3A_319 = tpu.vector_load %arg7[%get3A_318] {strides = array<i32>} : memref<59136xf32, #tpu.memory_space<vmem>>, vector<16xf32>,
        %get3A_320 = vector.shape_cast %get3A_319 : vector<16xf32> to vector<16xf32>
        %add3A_321 = arith.constant 368 : i32
        %add3A_322 = arith.addi %mul3A_151, %add3A_321 : i32
        %get3A_323 = arith.index_cast %add3A_322 : i32 to index
        %get3A_324 = tpu.vector_load %arg7[%get3A_323] {strides = array<i32>} : memref<59136xf32, #tpu.memory_space<vmem>>, vector<16xf32>,
        %get3A_325 = vector.shape_cast %get3A_324 : vector<16xf32> to vector<16xf32>
        %swap3A_326 = arith.constant 0 : i32
        %swap3A_327 = arith.index_cast %swap3A_326 : i32 to index
        %swap3A_328 = arith.index_cast %scan3A_132 : i32 to index
        %swap3A_329 = arith.constant 128 : index
        %swap3A_330 = tpu.vector_load %arg8[%swap3A_327, %swap3A_328, %swap3A_329] {strides = array<i32>} : memref<2x16x768xf32, #tpu.memory_space<vmem>>, vector<1x1x16xf32>,
        %swap3A_331 = vector.shape_cast %swap3A_330 : vector<1x1x16xf32> to vector<16xf32>
        %swap3A_332 = vector.shape_cast %get3A_195 : vector<16xf32> to vector<1x1x16xf32>
        tpu.vector_store %arg8[%swap3A_327, %swap3A_328, %swap3A_329], %swap3A_332 {add = true, strides = array<i32>} : memref<2x16x768xf32, #tpu.memory_space<vmem>>, vector<1x1x16xf32>,
        %swap3A_333 = arith.constant 0 : i32
        %swap3A_334 = arith.index_cast %swap3A_333 : i32 to index
        %swap3A_335 = arith.index_cast %scan3A_132 : i32 to index
        %swap3A_336 = arith.constant 144 : index
        %swap3A_337 = tpu.vector_load %arg8[%swap3A_334, %swap3A_335, %swap3A_336] {strides = array<i32>} : memref<2x16x768xf32, #tpu.memory_space<vmem>>, vector<1x1x16xf32>,
        %swap3A_338 = vector.shape_cast %swap3A_337 : vector<1x1x16xf32> to vector<16xf32>
        %swap3A_339 = vector.shape_cast %get3A_200 : vector<16xf32> to vector<1x1x16xf32>
        tpu.vector_store %arg8[%swap3A_334, %swap3A_335, %swap3A_336], %swap3A_339 {add = true, strides = array<i32>} : memref<2x16x768xf32, #tpu.memory_space<vmem>>, vector<1x1x16xf32>,
        %swap3A_340 = arith.constant 0 : i32
        %swap3A_341 = arith.index_cast %swap3A_340 : i32 to index
        %swap3A_342 = arith.index_cast %scan3A_132 : i32 to index
        %swap3A_343 = arith.constant 160 : index
        %swap3A_344 = tpu.vector_load %arg8[%swap3A_341, %swap3A_342, %swap3A_343] {strides = array<i32>} : memref<2x16x768xf32, #tpu.memory_space<vmem>>, vector<1x1x16xf32>,
        %swap3A_345 = vector.shape_cast %swap3A_344 : vector<1x1x16xf32> to vector<16xf32>
        %swap3A_346 = vector.shape_cast %get3A_205 : vector<16xf32> to vector<1x1x16xf32>
        tpu.vector_store %arg8[%swap3A_341, %swap3A_342, %swap3A_343], %swap3A_346 {add = true, strides = array<i32>} : memref<2x16x768xf32, #tpu.memory_space<vmem>>, vector<1x1x16xf32>,
        %swap3A_347 = arith.constant 0 : i32
        %swap3A_348 = arith.index_cast %swap3A_347 : i32 to index
        %swap3A_349 = arith.index_cast %scan3A_132 : i32 to index
        %swap3A_350 = arith.constant 176 : index
        %swap3A_351 = tpu.vector_load %arg8[%swap3A_348, %swap3A_349, %swap3A_350] {strides = array<i32>} : memref<2x16x768xf32, #tpu.memory_space<vmem>>, vector<1x1x16xf32>,
        %swap3A_352 = vector.shape_cast %swap3A_351 : vector<1x1x16xf32> to vector<16xf32>
        %swap3A_353 = vector.shape_cast %get3A_210 : vector<16xf32> to vector<1x1x16xf32>
        tpu.vector_store %arg8[%swap3A_348, %swap3A_349, %swap3A_350], %swap3A_353 {add = true, strides = array<i32>} : memref<2x16x768xf32, #tpu.memory_space<vmem>>, vector<1x1x16xf32>,
        %swap3A_354 = arith.constant 0 : i32
        %swap3A_355 = arith.index_cast %swap3A_354 : i32 to index
        %swap3A_356 = arith.index_cast %scan3A_132 : i32 to index
        %swap3A_357 = arith.constant 192 : index
        %swap3A_358 = tpu.vector_load %arg8[%swap3A_355, %swap3A_356, %swap3A_357] {strides = array<i32>} : memref<2x16x768xf32, #tpu.memory_space<vmem>>, vector<1x1x16xf32>,
        %swap3A_359 = vector.shape_cast %swap3A_358 : vector<1x1x16xf32> to vector<16xf32>
        %swap3A_360 = vector.shape_cast %get3A_215 : vector<16xf32> to vector<1x1x16xf32>
        tpu.vector_store %arg8[%swap3A_355, %swap3A_356, %swap3A_357], %swap3A_360 {add = true, strides = array<i32>} : memref<2x16x768xf32, #tpu.memory_space<vmem>>, vector<1x1x16xf32>,
        %swap3A_361 = arith.constant 0 : i32
        %swap3A_362 = arith.index_cast %swap3A_361 : i32 to index
        %swap3A_363 = arith.index_cast %scan3A_132 : i32 to index
        %swap3A_364 = arith.constant 208 : index
        %swap3A_365 = tpu.vector_load %arg8[%swap3A_362, %swap3A_363, %swap3A_364] {strides = array<i32>} : memref<2x16x768xf32, #tpu.memory_space<vmem>>, vector<1x1x16xf32>,
        %swap3A_366 = vector.shape_cast %swap3A_365 : vector<1x1x16xf32> to vector<16xf32>
        %swap3A_367 = vector.shape_cast %get3A_220 : vector<16xf32> to vector<1x1x16xf32>
        tpu.vector_store %arg8[%swap3A_362, %swap3A_363, %swap3A_364], %swap3A_367 {add = true, strides = array<i32>} : memref<2x16x768xf32, #tpu.memory_space<vmem>>, vector<1x1x16xf32>,
        %swap3A_368 = arith.constant 0 : i32
        %swap3A_369 = arith.index_cast %swap3A_368 : i32 to index
        %swap3A_370 = arith.index_cast %scan3A_132 : i32 to index
        %swap3A_371 = arith.constant 224 : index
        %swap3A_372 = tpu.vector_load %arg8[%swap3A_369, %swap3A_370, %swap3A_371] {strides = array<i32>} : memref<2x16x768xf32, #tpu.memory_space<vmem>>, vector<1x1x16xf32>,
        %swap3A_373 = vector.shape_cast %swap3A_372 : vector<1x1x16xf32> to vector<16xf32>
        %swap3A_374 = vector.shape_cast %get3A_225 : vector<16xf32> to vector<1x1x16xf32>
        tpu.vector_store %arg8[%swap3A_369, %swap3A_370, %swap3A_371], %swap3A_374 {add = true, strides = array<i32>} : memref<2x16x768xf32, #tpu.memory_space<vmem>>, vector<1x1x16xf32>,
        %swap3A_375 = arith.constant 0 : i32
        %swap3A_376 = arith.index_cast %swap3A_375 : i32 to index
        %swap3A_377 = arith.index_cast %scan3A_132 : i32 to index
        %swap3A_378 = arith.constant 240 : index
        %swap3A_379 = tpu.vector_load %arg8[%swap3A_376, %swap3A_377, %swap3A_378] {strides = array<i32>} : memref<2x16x768xf32, #tpu.memory_space<vmem>>, vector<1x1x16xf32>,
        %swap3A_380 = vector.shape_cast %swap3A_379 : vector<1x1x16xf32> to vector<16xf32>
        %swap3A_381 = vector.shape_cast %get3A_230 : vector<16xf32> to vector<1x1x16xf32>
        tpu.vector_store %arg8[%swap3A_376, %swap3A_377, %swap3A_378], %swap3A_381 {add = true, strides = array<i32>} : memref<2x16x768xf32, #tpu.memory_space<vmem>>, vector<1x1x16xf32>,
        %add3A_382 = arith.constant 384 : i32
        %add3A_383 = arith.addi %mul3A_151, %add3A_382 : i32
        %get3A_384 = arith.index_cast %add3A_383 : i32 to index
        %get3A_385 = tpu.vector_load %arg7[%get3A_384] {strides = array<i32>} : memref<59136xf32, #tpu.memory_space<vmem>>, vector<16xf32>,
        %get3A_386 = vector.shape_cast %get3A_385 : vector<16xf32> to vector<16xf32>
        %add3A_387 = arith.constant 400 : i32
        %add3A_388 = arith.addi %mul3A_151, %add3A_387 : i32
        %get3A_389 = arith.index_cast %add3A_388 : i32 to index
        %get3A_390 = tpu.vector_load %arg7[%get3A_389] {strides = array<i32>} : memref<59136xf32, #tpu.memory_space<vmem>>, vector<16xf32>,
        %get3A_391 = vector.shape_cast %get3A_390 : vector<16xf32> to vector<16xf32>
        %add3A_392 = arith.constant 416 : i32
        %add3A_393 = arith.addi %mul3A_151, %add3A_392 : i32
        %get3A_394 = arith.index_cast %add3A_393 : i32 to index
        %get3A_395 = tpu.vector_load %arg7[%get3A_394] {strides = array<i32>} : memref<59136xf32, #tpu.memory_space<vmem>>, vector<16xf32>,
        %get3A_396 = vector.shape_cast %get3A_395 : vector<16xf32> to vector<16xf32>
        %add3A_397 = arith.constant 432 : i32
        %add3A_398 = arith.addi %mul3A_151, %add3A_397 : i32
        %get3A_399 = arith.index_cast %add3A_398 : i32 to index
        %get3A_400 = tpu.vector_load %arg7[%get3A_399] {strides = array<i32>} : memref<59136xf32, #tpu.memory_space<vmem>>, vector<16xf32>,
        %get3A_401 = vector.shape_cast %get3A_400 : vector<16xf32> to vector<16xf32>
        %add3A_402 = arith.constant 448 : i32
        %add3A_403 = arith.addi %mul3A_151, %add3A_402 : i32
        %get3A_404 = arith.index_cast %add3A_403 : i32 to index
        %get3A_405 = tpu.vector_load %arg7[%get3A_404] {strides = array<i32>} : memref<59136xf32, #tpu.memory_space<vmem>>, vector<16xf32>,
        %get3A_406 = vector.shape_cast %get3A_405 : vector<16xf32> to vector<16xf32>
        %add3A_407 = arith.constant 464 : i32
        %add3A_408 = arith.addi %mul3A_151, %add3A_407 : i32
        %get3A_409 = arith.index_cast %add3A_408 : i32 to index
        %get3A_410 = tpu.vector_load %arg7[%get3A_409] {strides = array<i32>} : memref<59136xf32, #tpu.memory_space<vmem>>, vector<16xf32>,
        %get3A_411 = vector.shape_cast %get3A_410 : vector<16xf32> to vector<16xf32>
        %add3A_412 = arith.constant 480 : i32
        %add3A_413 = arith.addi %mul3A_151, %add3A_412 : i32
        %get3A_414 = arith.index_cast %add3A_413 : i32 to index
        %get3A_415 = tpu.vector_load %arg7[%get3A_414] {strides = array<i32>} : memref<59136xf32, #tpu.memory_space<vmem>>, vector<16xf32>,
        %get3A_416 = vector.shape_cast %get3A_415 : vector<16xf32> to vector<16xf32>
        %add3A_417 = arith.constant 496 : i32
        %add3A_418 = arith.addi %mul3A_151, %add3A_417 : i32
        %get3A_419 = arith.index_cast %add3A_418 : i32 to index
        %get3A_420 = tpu.vector_load %arg7[%get3A_419] {strides = array<i32>} : memref<59136xf32, #tpu.memory_space<vmem>>, vector<16xf32>,
        %get3A_421 = vector.shape_cast %get3A_420 : vector<16xf32> to vector<16xf32>
        %swap3A_422 = arith.constant 0 : i32
        %swap3A_423 = arith.index_cast %swap3A_422 : i32 to index
        %swap3A_424 = arith.index_cast %scan3A_132 : i32 to index
        %swap3A_425 = arith.constant 256 : index
        %swap3A_426 = tpu.vector_load %arg8[%swap3A_423, %swap3A_424, %swap3A_425] {strides = array<i32>} : memref<2x16x768xf32, #tpu.memory_space<vmem>>, vector<1x1x16xf32>,
        %swap3A_427 = vector.shape_cast %swap3A_426 : vector<1x1x16xf32> to vector<16xf32>
        %swap3A_428 = vector.shape_cast %get3A_290 : vector<16xf32> to vector<1x1x16xf32>
        tpu.vector_store %arg8[%swap3A_423, %swap3A_424, %swap3A_425], %swap3A_428 {add = true, strides = array<i32>} : memref<2x16x768xf32, #tpu.memory_space<vmem>>, vector<1x1x16xf32>,
        %swap3A_429 = arith.constant 0 : i32
        %swap3A_430 = arith.index_cast %swap3A_429 : i32 to index
        %swap3A_431 = arith.index_cast %scan3A_132 : i32 to index
        %swap3A_432 = arith.constant 272 : index
        %swap3A_433 = tpu.vector_load %arg8[%swap3A_430, %swap3A_431, %swap3A_432] {strides = array<i32>} : memref<2x16x768xf32, #tpu.memory_space<vmem>>, vector<1x1x16xf32>,
        %swap3A_434 = vector.shape_cast %swap3A_433 : vector<1x1x16xf32> to vector<16xf32>
        %swap3A_435 = vector.shape_cast %get3A_295 : vector<16xf32> to vector<1x1x16xf32>
        tpu.vector_store %arg8[%swap3A_430, %swap3A_431, %swap3A_432], %swap3A_435 {add = true, strides = array<i32>} : memref<2x16x768xf32, #tpu.memory_space<vmem>>, vector<1x1x16xf32>,
        %swap3A_436 = arith.constant 0 : i32
        %swap3A_437 = arith.index_cast %swap3A_436 : i32 to index
        %swap3A_438 = arith.index_cast %scan3A_132 : i32 to index
        %swap3A_439 = arith.constant 288 : index
        %swap3A_440 = tpu.vector_load %arg8[%swap3A_437, %swap3A_438, %swap3A_439] {strides = array<i32>} : memref<2x16x768xf32, #tpu.memory_space<vmem>>, vector<1x1x16xf32>,
        %swap3A_441 = vector.shape_cast %swap3A_440 : vector<1x1x16xf32> to vector<16xf32>
        %swap3A_442 = vector.shape_cast %get3A_300 : vector<16xf32> to vector<1x1x16xf32>
        tpu.vector_store %arg8[%swap3A_437, %swap3A_438, %swap3A_439], %swap3A_442 {add = true, strides = array<i32>} : memref<2x16x768xf32, #tpu.memory_space<vmem>>, vector<1x1x16xf32>,
        %swap3A_443 = arith.constant 0 : i32
        %swap3A_444 = arith.index_cast %swap3A_443 : i32 to index
        %swap3A_445 = arith.index_cast %scan3A_132 : i32 to index
        %swap3A_446 = arith.constant 304 : index
        %swap3A_447 = tpu.vector_load %arg8[%swap3A_444, %swap3A_445, %swap3A_446] {strides = array<i32>} : memref<2x16x768xf32, #tpu.memory_space<vmem>>, vector<1x1x16xf32>,
        %swap3A_448 = vector.shape_cast %swap3A_447 : vector<1x1x16xf32> to vector<16xf32>
        %swap3A_449 = vector.shape_cast %get3A_305 : vector<16xf32> to vector<1x1x16xf32>
        tpu.vector_store %arg8[%swap3A_444, %swap3A_445, %swap3A_446], %swap3A_449 {add = true, strides = array<i32>} : memref<2x16x768xf32, #tpu.memory_space<vmem>>, vector<1x1x16xf32>,
        %swap3A_450 = arith.constant 0 : i32
        %swap3A_451 = arith.index_cast %swap3A_450 : i32 to index
        %swap3A_452 = arith.index_cast %scan3A_132 : i32 to index
        %swap3A_453 = arith.constant 320 : index
        %swap3A_454 = tpu.vector_load %arg8[%swap3A_451, %swap3A_452, %swap3A_453] {strides = array<i32>} : memref<2x16x768xf32, #tpu.memory_space<vmem>>, vector<1x1x16xf32>,
        %swap3A_455 = vector.shape_cast %swap3A_454 : vector<1x1x16xf32> to vector<16xf32>
        %swap3A_456 = vector.shape_cast %get3A_310 : vector<16xf32> to vector<1x1x16xf32>
        tpu.vector_store %arg8[%swap3A_451, %swap3A_452, %swap3A_453], %swap3A_456 {add = true, strides = array<i32>} : memref<2x16x768xf32, #tpu.memory_space<vmem>>, vector<1x1x16xf32>,
        %swap3A_457 = arith.constant 0 : i32
        %swap3A_458 = arith.index_cast %swap3A_457 : i32 to index
        %swap3A_459 = arith.index_cast %scan3A_132 : i32 to index
        %swap3A_460 = arith.constant 336 : index
        %swap3A_461 = tpu.vector_load %arg8[%swap3A_458, %swap3A_459, %swap3A_460] {strides = array<i32>} : memref<2x16x768xf32, #tpu.memory_space<vmem>>, vector<1x1x16xf32>,
        %swap3A_462 = vector.shape_cast %swap3A_461 : vector<1x1x16xf32> to vector<16xf32>
        %swap3A_463 = vector.shape_cast %get3A_315 : vector<16xf32> to vector<1x1x16xf32>
        tpu.vector_store %arg8[%swap3A_458, %swap3A_459, %swap3A_460], %swap3A_463 {add = true, strides = array<i32>} : memref<2x16x768xf32, #tpu.memory_space<vmem>>, vector<1x1x16xf32>,
        %swap3A_464 = arith.constant 0 : i32
        %swap3A_465 = arith.index_cast %swap3A_464 : i32 to index
        %swap3A_466 = arith.index_cast %scan3A_132 : i32 to index
        %swap3A_467 = arith.constant 352 : index
        %swap3A_468 = tpu.vector_load %arg8[%swap3A_465, %swap3A_466, %swap3A_467] {strides = array<i32>} : memref<2x16x768xf32, #tpu.memory_space<vmem>>, vector<1x1x16xf32>,
        %swap3A_469 = vector.shape_cast %swap3A_468 : vector<1x1x16xf32> to vector<16xf32>
        %swap3A_470 = vector.shape_cast %get3A_320 : vector<16xf32> to vector<1x1x16xf32>
        tpu.vector_store %arg8[%swap3A_465, %swap3A_466, %swap3A_467], %swap3A_470 {add = true, strides = array<i32>} : memref<2x16x768xf32, #tpu.memory_space<vmem>>, vector<1x1x16xf32>,
        %swap3A_471 = arith.constant 0 : i32
        %swap3A_472 = arith.index_cast %swap3A_471 : i32 to index
        %swap3A_473 = arith.index_cast %scan3A_132 : i32 to index
        %swap3A_474 = arith.constant 368 : index
        %swap3A_475 = tpu.vector_load %arg8[%swap3A_472, %swap3A_473, %swap3A_474] {strides = array<i32>} : memref<2x16x768xf32, #tpu.memory_space<vmem>>, vector<1x1x16xf32>,
        %swap3A_476 = vector.shape_cast %swap3A_475 : vector<1x1x16xf32> to vector<16xf32>
        %swap3A_477 = vector.shape_cast %get3A_325 : vector<16xf32> to vector<1x1x16xf32>
        tpu.vector_store %arg8[%swap3A_472, %swap3A_473, %swap3A_474], %swap3A_477 {add = true, strides = array<i32>} : memref<2x16x768xf32, #tpu.memory_space<vmem>>, vector<1x1x16xf32>,
        %add3A_478 = arith.constant 512 : i32
        %add3A_479 = arith.addi %mul3A_151, %add3A_478 : i32
        %get3A_480 = arith.index_cast %add3A_479 : i32 to index
        %get3A_481 = tpu.vector_load %arg7[%get3A_480] {strides = array<i32>} : memref<59136xf32, #tpu.memory_space<vmem>>, vector<16xf32>,
        %get3A_482 = vector.shape_cast %get3A_481 : vector<16xf32> to vector<16xf32>
        %add3A_483 = arith.constant 528 : i32
        %add3A_484 = arith.addi %mul3A_151, %add3A_483 : i32
        %get3A_485 = arith.index_cast %add3A_484 : i32 to index
        %get3A_486 = tpu.vector_load %arg7[%get3A_485] {strides = array<i32>} : memref<59136xf32, #tpu.memory_space<vmem>>, vector<16xf32>,
        %get3A_487 = vector.shape_cast %get3A_486 : vector<16xf32> to vector<16xf32>
        %add3A_488 = arith.constant 544 : i32
        %add3A_489 = arith.addi %mul3A_151, %add3A_488 : i32
        %get3A_490 = arith.index_cast %add3A_489 : i32 to index
        %get3A_491 = tpu.vector_load %arg7[%get3A_490] {strides = array<i32>} : memref<59136xf32, #tpu.memory_space<vmem>>, vector<16xf32>,
        %get3A_492 = vector.shape_cast %get3A_491 : vector<16xf32> to vector<16xf32>
        %add3A_493 = arith.constant 560 : i32
        %add3A_494 = arith.addi %mul3A_151, %add3A_493 : i32
        %get3A_495 = arith.index_cast %add3A_494 : i32 to index
        %get3A_496 = tpu.vector_load %arg7[%get3A_495] {strides = array<i32>} : memref<59136xf32, #tpu.memory_space<vmem>>, vector<16xf32>,
        %get3A_497 = vector.shape_cast %get3A_496 : vector<16xf32> to vector<16xf32>
        %add3A_498 = arith.constant 576 : i32
        %add3A_499 = arith.addi %mul3A_151, %add3A_498 : i32
        %get3A_500 = arith.index_cast %add3A_499 : i32 to index
        %get3A_501 = tpu.vector_load %arg7[%get3A_500] {strides = array<i32>} : memref<59136xf32, #tpu.memory_space<vmem>>, vector<16xf32>,
        %get3A_502 = vector.shape_cast %get3A_501 : vector<16xf32> to vector<16xf32>
        %add3A_503 = arith.constant 592 : i32
        %add3A_504 = arith.addi %mul3A_151, %add3A_503 : i32
        %get3A_505 = arith.index_cast %add3A_504 : i32 to index
        %get3A_506 = tpu.vector_load %arg7[%get3A_505] {strides = array<i32>} : memref<59136xf32, #tpu.memory_space<vmem>>, vector<16xf32>,
        %get3A_507 = vector.shape_cast %get3A_506 : vector<16xf32> to vector<16xf32>
        %add3A_508 = arith.constant 608 : i32
        %add3A_509 = arith.addi %mul3A_151, %add3A_508 : i32
        %get3A_510 = arith.index_cast %add3A_509 : i32 to index
        %get3A_511 = tpu.vector_load %arg7[%get3A_510] {strides = array<i32>} : memref<59136xf32, #tpu.memory_space<vmem>>, vector<16xf32>,
        %get3A_512 = vector.shape_cast %get3A_511 : vector<16xf32> to vector<16xf32>
        %add3A_513 = arith.constant 624 : i32
        %add3A_514 = arith.addi %mul3A_151, %add3A_513 : i32
        %get3A_515 = arith.index_cast %add3A_514 : i32 to index
        %get3A_516 = tpu.vector_load %arg7[%get3A_515] {strides = array<i32>} : memref<59136xf32, #tpu.memory_space<vmem>>, vector<16xf32>,
        %get3A_517 = vector.shape_cast %get3A_516 : vector<16xf32> to vector<16xf32>
        %swap3A_518 = arith.constant 0 : i32
        %swap3A_519 = arith.index_cast %swap3A_518 : i32 to index
        %swap3A_520 = arith.index_cast %scan3A_132 : i32 to index
        %swap3A_521 = arith.constant 384 : index
        %swap3A_522 = tpu.vector_load %arg8[%swap3A_519, %swap3A_520, %swap3A_521] {strides = array<i32>} : memref<2x16x768xf32, #tpu.memory_space<vmem>>, vector<1x1x16xf32>,
        %swap3A_523 = vector.shape_cast %swap3A_522 : vector<1x1x16xf32> to vector<16xf32>
        %swap3A_524 = vector.shape_cast %get3A_386 : vector<16xf32> to vector<1x1x16xf32>
        tpu.vector_store %arg8[%swap3A_519, %swap3A_520, %swap3A_521], %swap3A_524 {add = true, strides = array<i32>} : memref<2x16x768xf32, #tpu.memory_space<vmem>>, vector<1x1x16xf32>,
        %swap3A_525 = arith.constant 0 : i32
        %swap3A_526 = arith.index_cast %swap3A_525 : i32 to index
        %swap3A_527 = arith.index_cast %scan3A_132 : i32 to index
        %swap3A_528 = arith.constant 400 : index
        %swap3A_529 = tpu.vector_load %arg8[%swap3A_526, %swap3A_527, %swap3A_528] {strides = array<i32>} : memref<2x16x768xf32, #tpu.memory_space<vmem>>, vector<1x1x16xf32>,
        %swap3A_530 = vector.shape_cast %swap3A_529 : vector<1x1x16xf32> to vector<16xf32>
        %swap3A_531 = vector.shape_cast %get3A_391 : vector<16xf32> to vector<1x1x16xf32>
        tpu.vector_store %arg8[%swap3A_526, %swap3A_527, %swap3A_528], %swap3A_531 {add = true, strides = array<i32>} : memref<2x16x768xf32, #tpu.memory_space<vmem>>, vector<1x1x16xf32>,
        %swap3A_532 = arith.constant 0 : i32
        %swap3A_533 = arith.index_cast %swap3A_532 : i32 to index
        %swap3A_534 = arith.index_cast %scan3A_132 : i32 to index
        %swap3A_535 = arith.constant 416 : index
        %swap3A_536 = tpu.vector_load %arg8[%swap3A_533, %swap3A_534, %swap3A_535] {strides = array<i32>} : memref<2x16x768xf32, #tpu.memory_space<vmem>>, vector<1x1x16xf32>,
        %swap3A_537 = vector.shape_cast %swap3A_536 : vector<1x1x16xf32> to vector<16xf32>
        %swap3A_538 = vector.shape_cast %get3A_396 : vector<16xf32> to vector<1x1x16xf32>
        tpu.vector_store %arg8[%swap3A_533, %swap3A_534, %swap3A_535], %swap3A_538 {add = true, strides = array<i32>} : memref<2x16x768xf32, #tpu.memory_space<vmem>>, vector<1x1x16xf32>,
        %swap3A_539 = arith.constant 0 : i32
        %swap3A_540 = arith.index_cast %swap3A_539 : i32 to index
        %swap3A_541 = arith.index_cast %scan3A_132 : i32 to index
        %swap3A_542 = arith.constant 432 : index
        %swap3A_543 = tpu.vector_load %arg8[%swap3A_540, %swap3A_541, %swap3A_542] {strides = array<i32>} : memref<2x16x768xf32, #tpu.memory_space<vmem>>, vector<1x1x16xf32>,
        %swap3A_544 = vector.shape_cast %swap3A_543 : vector<1x1x16xf32> to vector<16xf32>
        %swap3A_545 = vector.shape_cast %get3A_401 : vector<16xf32> to vector<1x1x16xf32>
        tpu.vector_store %arg8[%swap3A_540, %swap3A_541, %swap3A_542], %swap3A_545 {add = true, strides = array<i32>} : memref<2x16x768xf32, #tpu.memory_space<vmem>>, vector<1x1x16xf32>,
        %swap3A_546 = arith.constant 0 : i32
        %swap3A_547 = arith.index_cast %swap3A_546 : i32 to index
        %swap3A_548 = arith.index_cast %scan3A_132 : i32 to index
        %swap3A_549 = arith.constant 448 : index
        %swap3A_550 = tpu.vector_load %arg8[%swap3A_547, %swap3A_548, %swap3A_549] {strides = array<i32>} : memref<2x16x768xf32, #tpu.memory_space<vmem>>, vector<1x1x16xf32>,
        %swap3A_551 = vector.shape_cast %swap3A_550 : vector<1x1x16xf32> to vector<16xf32>
        %swap3A_552 = vector.shape_cast %get3A_406 : vector<16xf32> to vector<1x1x16xf32>
        tpu.vector_store %arg8[%swap3A_547, %swap3A_548, %swap3A_549], %swap3A_552 {add = true, strides = array<i32>} : memref<2x16x768xf32, #tpu.memory_space<vmem>>, vector<1x1x16xf32>,
        %swap3A_553 = arith.constant 0 : i32
        %swap3A_554 = arith.index_cast %swap3A_553 : i32 to index
        %swap3A_555 = arith.index_cast %scan3A_132 : i32 to index
        %swap3A_556 = arith.constant 464 : index
        %swap3A_557 = tpu.vector_load %arg8[%swap3A_554, %swap3A_555, %swap3A_556] {strides = array<i32>} : memref<2x16x768xf32, #tpu.memory_space<vmem>>, vector<1x1x16xf32>,
        %swap3A_558 = vector.shape_cast %swap3A_557 : vector<1x1x16xf32> to vector<16xf32>
        %swap3A_559 = vector.shape_cast %get3A_411 : vector<16xf32> to vector<1x1x16xf32>
        tpu.vector_store %arg8[%swap3A_554, %swap3A_555, %swap3A_556], %swap3A_559 {add = true, strides = array<i32>} : memref<2x16x768xf32, #tpu.memory_space<vmem>>, vector<1x1x16xf32>,
        %swap3A_560 = arith.constant 0 : i32
        %swap3A_561 = arith.index_cast %swap3A_560 : i32 to index
        %swap3A_562 = arith.index_cast %scan3A_132 : i32 to index
        %swap3A_563 = arith.constant 480 : index
        %swap3A_564 = tpu.vector_load %arg8[%swap3A_561, %swap3A_562, %swap3A_563] {strides = array<i32>} : memref<2x16x768xf32, #tpu.memory_space<vmem>>, vector<1x1x16xf32>,
        %swap3A_565 = vector.shape_cast %swap3A_564 : vector<1x1x16xf32> to vector<16xf32>
        %swap3A_566 = vector.shape_cast %get3A_416 : vector<16xf32> to vector<1x1x16xf32>
        tpu.vector_store %arg8[%swap3A_561, %swap3A_562, %swap3A_563], %swap3A_566 {add = true, strides = array<i32>} : memref<2x16x768xf32, #tpu.memory_space<vmem>>, vector<1x1x16xf32>,
        %swap3A_567 = arith.constant 0 : i32
        %swap3A_568 = arith.index_cast %swap3A_567 : i32 to index
        %swap3A_569 = arith.index_cast %scan3A_132 : i32 to index
        %swap3A_570 = arith.constant 496 : index
        %swap3A_571 = tpu.vector_load %arg8[%swap3A_568, %swap3A_569, %swap3A_570] {strides = array<i32>} : memref<2x16x768xf32, #tpu.memory_space<vmem>>, vector<1x1x16xf32>,
        %swap3A_572 = vector.shape_cast %swap3A_571 : vector<1x1x16xf32> to vector<16xf32>
        %swap3A_573 = vector.shape_cast %get3A_421 : vector<16xf32> to vector<1x1x16xf32>
        tpu.vector_store %arg8[%swap3A_568, %swap3A_569, %swap3A_570], %swap3A_573 {add = true, strides = array<i32>} : memref<2x16x768xf32, #tpu.memory_space<vmem>>, vector<1x1x16xf32>,
        %add3A_574 = arith.constant 640 : i32
        %add3A_575 = arith.addi %mul3A_151, %add3A_574 : i32
        %get3A_576 = arith.index_cast %add3A_575 : i32 to index
        %get3A_577 = tpu.vector_load %arg7[%get3A_576] {strides = array<i32>} : memref<59136xf32, #tpu.memory_space<vmem>>, vector<16xf32>,
        %get3A_578 = vector.shape_cast %get3A_577 : vector<16xf32> to vector<16xf32>
        %add3A_579 = arith.constant 656 : i32
        %add3A_580 = arith.addi %mul3A_151, %add3A_579 : i32
        %get3A_581 = arith.index_cast %add3A_580 : i32 to index
        %get3A_582 = tpu.vector_load %arg7[%get3A_581] {strides = array<i32>} : memref<59136xf32, #tpu.memory_space<vmem>>, vector<16xf32>,
        %get3A_583 = vector.shape_cast %get3A_582 : vector<16xf32> to vector<16xf32>
        %add3A_584 = arith.constant 672 : i32
        %add3A_585 = arith.addi %mul3A_151, %add3A_584 : i32
        %get3A_586 = arith.index_cast %add3A_585 : i32 to index
        %get3A_587 = tpu.vector_load %arg7[%get3A_586] {strides = array<i32>} : memref<59136xf32, #tpu.memory_space<vmem>>, vector<16xf32>,
        %get3A_588 = vector.shape_cast %get3A_587 : vector<16xf32> to vector<16xf32>
        %add3A_589 = arith.constant 688 : i32
        %add3A_590 = arith.addi %mul3A_151, %add3A_589 : i32
        %get3A_591 = arith.index_cast %add3A_590 : i32 to index
        %get3A_592 = tpu.vector_load %arg7[%get3A_591] {strides = array<i32>} : memref<59136xf32, #tpu.memory_space<vmem>>, vector<16xf32>,
        %get3A_593 = vector.shape_cast %get3A_592 : vector<16xf32> to vector<16xf32>
        %add3A_594 = arith.constant 704 : i32
        %add3A_595 = arith.addi %mul3A_151, %add3A_594 : i32
        %get3A_596 = arith.index_cast %add3A_595 : i32 to index
        %get3A_597 = tpu.vector_load %arg7[%get3A_596] {strides = array<i32>} : memref<59136xf32, #tpu.memory_space<vmem>>, vector<16xf32>,
        %get3A_598 = vector.shape_cast %get3A_597 : vector<16xf32> to vector<16xf32>
        %add3A_599 = arith.constant 720 : i32
        %add3A_600 = arith.addi %mul3A_151, %add3A_599 : i32
        %get3A_601 = arith.index_cast %add3A_600 : i32 to index
        %get3A_602 = tpu.vector_load %arg7[%get3A_601] {strides = array<i32>} : memref<59136xf32, #tpu.memory_space<vmem>>, vector<16xf32>,
        %get3A_603 = vector.shape_cast %get3A_602 : vector<16xf32> to vector<16xf32>
        %add3A_604 = arith.constant 736 : i32
        %add3A_605 = arith.addi %mul3A_151, %add3A_604 : i32
        %get3A_606 = arith.index_cast %add3A_605 : i32 to index
        %get3A_607 = tpu.vector_load %arg7[%get3A_606] {strides = array<i32>} : memref<59136xf32, #tpu.memory_space<vmem>>, vector<16xf32>,
        %get3A_608 = vector.shape_cast %get3A_607 : vector<16xf32> to vector<16xf32>
        %add3A_609 = arith.constant 752 : i32
        %add3A_610 = arith.addi %mul3A_151, %add3A_609 : i32
        %get3A_611 = arith.index_cast %add3A_610 : i32 to index
        %get3A_612 = tpu.vector_load %arg7[%get3A_611] {strides = array<i32>} : memref<59136xf32, #tpu.memory_space<vmem>>, vector<16xf32>,
        %get3A_613 = vector.shape_cast %get3A_612 : vector<16xf32> to vector<16xf32>
        %swap3A_614 = arith.constant 0 : i32
        %swap3A_615 = arith.index_cast %swap3A_614 : i32 to index
        %swap3A_616 = arith.index_cast %scan3A_132 : i32 to index
        %swap3A_617 = arith.constant 512 : index
        %swap3A_618 = tpu.vector_load %arg8[%swap3A_615, %swap3A_616, %swap3A_617] {strides = array<i32>} : memref<2x16x768xf32, #tpu.memory_space<vmem>>, vector<1x1x16xf32>,
        %swap3A_619 = vector.shape_cast %swap3A_618 : vector<1x1x16xf32> to vector<16xf32>
        %swap3A_620 = vector.shape_cast %get3A_482 : vector<16xf32> to vector<1x1x16xf32>
        tpu.vector_store %arg8[%swap3A_615, %swap3A_616, %swap3A_617], %swap3A_620 {add = true, strides = array<i32>} : memref<2x16x768xf32, #tpu.memory_space<vmem>>, vector<1x1x16xf32>,
        %swap3A_621 = arith.constant 0 : i32
        %swap3A_622 = arith.index_cast %swap3A_621 : i32 to index
        %swap3A_623 = arith.index_cast %scan3A_132 : i32 to index
        %swap3A_624 = arith.constant 528 : index
        %swap3A_625 = tpu.vector_load %arg8[%swap3A_622, %swap3A_623, %swap3A_624] {strides = array<i32>} : memref<2x16x768xf32, #tpu.memory_space<vmem>>, vector<1x1x16xf32>,
        %swap3A_626 = vector.shape_cast %swap3A_625 : vector<1x1x16xf32> to vector<16xf32>
        %swap3A_627 = vector.shape_cast %get3A_487 : vector<16xf32> to vector<1x1x16xf32>
        tpu.vector_store %arg8[%swap3A_622, %swap3A_623, %swap3A_624], %swap3A_627 {add = true, strides = array<i32>} : memref<2x16x768xf32, #tpu.memory_space<vmem>>, vector<1x1x16xf32>,
        %swap3A_628 = arith.constant 0 : i32
        %swap3A_629 = arith.index_cast %swap3A_628 : i32 to index
        %swap3A_630 = arith.index_cast %scan3A_132 : i32 to index
        %swap3A_631 = arith.constant 544 : index
        %swap3A_632 = tpu.vector_load %arg8[%swap3A_629, %swap3A_630, %swap3A_631] {strides = array<i32>} : memref<2x16x768xf32, #tpu.memory_space<vmem>>, vector<1x1x16xf32>,
        %swap3A_633 = vector.shape_cast %swap3A_632 : vector<1x1x16xf32> to vector<16xf32>
        %swap3A_634 = vector.shape_cast %get3A_492 : vector<16xf32> to vector<1x1x16xf32>
        tpu.vector_store %arg8[%swap3A_629, %swap3A_630, %swap3A_631], %swap3A_634 {add = true, strides = array<i32>} : memref<2x16x768xf32, #tpu.memory_space<vmem>>, vector<1x1x16xf32>,
        %swap3A_635 = arith.constant 0 : i32
        %swap3A_636 = arith.index_cast %swap3A_635 : i32 to index
        %swap3A_637 = arith.index_cast %scan3A_132 : i32 to index
        %swap3A_638 = arith.constant 560 : index
        %swap3A_639 = tpu.vector_load %arg8[%swap3A_636, %swap3A_637, %swap3A_638] {strides = array<i32>} : memref<2x16x768xf32, #tpu.memory_space<vmem>>, vector<1x1x16xf32>,
        %swap3A_640 = vector.shape_cast %swap3A_639 : vector<1x1x16xf32> to vector<16xf32>
        %swap3A_641 = vector.shape_cast %get3A_497 : vector<16xf32> to vector<1x1x16xf32>
        tpu.vector_store %arg8[%swap3A_636, %swap3A_637, %swap3A_638], %swap3A_641 {add = true, strides = array<i32>} : memref<2x16x768xf32, #tpu.memory_space<vmem>>, vector<1x1x16xf32>,
        %swap3A_642 = arith.constant 0 : i32
        %swap3A_643 = arith.index_cast %swap3A_642 : i32 to index
        %swap3A_644 = arith.index_cast %scan3A_132 : i32 to index
        %swap3A_645 = arith.constant 576 : index
        %swap3A_646 = tpu.vector_load %arg8[%swap3A_643, %swap3A_644, %swap3A_645] {strides = array<i32>} : memref<2x16x768xf32, #tpu.memory_space<vmem>>, vector<1x1x16xf32>,
        %swap3A_647 = vector.shape_cast %swap3A_646 : vector<1x1x16xf32> to vector<16xf32>
        %swap3A_648 = vector.shape_cast %get3A_502 : vector<16xf32> to vector<1x1x16xf32>
        tpu.vector_store %arg8[%swap3A_643, %swap3A_644, %swap3A_645], %swap3A_648 {add = true, strides = array<i32>} : memref<2x16x768xf32, #tpu.memory_space<vmem>>, vector<1x1x16xf32>,
        %swap3A_649 = arith.constant 0 : i32
        %swap3A_650 = arith.index_cast %swap3A_649 : i32 to index
        %swap3A_651 = arith.index_cast %scan3A_132 : i32 to index
        %swap3A_652 = arith.constant 592 : index
        %swap3A_653 = tpu.vector_load %arg8[%swap3A_650, %swap3A_651, %swap3A_652] {strides = array<i32>} : memref<2x16x768xf32, #tpu.memory_space<vmem>>, vector<1x1x16xf32>,
        %swap3A_654 = vector.shape_cast %swap3A_653 : vector<1x1x16xf32> to vector<16xf32>
        %swap3A_655 = vector.shape_cast %get3A_507 : vector<16xf32> to vector<1x1x16xf32>
        tpu.vector_store %arg8[%swap3A_650, %swap3A_651, %swap3A_652], %swap3A_655 {add = true, strides = array<i32>} : memref<2x16x768xf32, #tpu.memory_space<vmem>>, vector<1x1x16xf32>,
        %swap3A_656 = arith.constant 0 : i32
        %swap3A_657 = arith.index_cast %swap3A_656 : i32 to index
        %swap3A_658 = arith.index_cast %scan3A_132 : i32 to index
        %swap3A_659 = arith.constant 608 : index
        %swap3A_660 = tpu.vector_load %arg8[%swap3A_657, %swap3A_658, %swap3A_659] {strides = array<i32>} : memref<2x16x768xf32, #tpu.memory_space<vmem>>, vector<1x1x16xf32>,
        %swap3A_661 = vector.shape_cast %swap3A_660 : vector<1x1x16xf32> to vector<16xf32>
        %swap3A_662 = vector.shape_cast %get3A_512 : vector<16xf32> to vector<1x1x16xf32>
        tpu.vector_store %arg8[%swap3A_657, %swap3A_658, %swap3A_659], %swap3A_662 {add = true, strides = array<i32>} : memref<2x16x768xf32, #tpu.memory_space<vmem>>, vector<1x1x16xf32>,
        %swap3A_663 = arith.constant 0 : i32
        %swap3A_664 = arith.index_cast %swap3A_663 : i32 to index
        %swap3A_665 = arith.index_cast %scan3A_132 : i32 to index
        %swap3A_666 = arith.constant 624 : index
        %swap3A_667 = tpu.vector_load %arg8[%swap3A_664, %swap3A_665, %swap3A_666] {strides = array<i32>} : memref<2x16x768xf32, #tpu.memory_space<vmem>>, vector<1x1x16xf32>,
        %swap3A_668 = vector.shape_cast %swap3A_667 : vector<1x1x16xf32> to vector<16xf32>
        %swap3A_669 = vector.shape_cast %get3A_517 : vector<16xf32> to vector<1x1x16xf32>
        tpu.vector_store %arg8[%swap3A_664, %swap3A_665, %swap3A_666], %swap3A_669 {add = true, strides = array<i32>} : memref<2x16x768xf32, #tpu.memory_space<vmem>>, vector<1x1x16xf32>,
        %swap3A_670 = arith.constant 0 : i32
        %swap3A_671 = arith.index_cast %swap3A_670 : i32 to index
        %swap3A_672 = arith.index_cast %scan3A_132 : i32 to index
        %swap3A_673 = arith.constant 640 : index
        %swap3A_674 = tpu.vector_load %arg8[%swap3A_671, %swap3A_672, %swap3A_673] {strides = array<i32>} : memref<2x16x768xf32, #tpu.memory_space<vmem>>, vector<1x1x16xf32>,
        %swap3A_675 = vector.shape_cast %swap3A_674 : vector<1x1x16xf32> to vector<16xf32>
        %swap3A_676 = vector.shape_cast %get3A_578 : vector<16xf32> to vector<1x1x16xf32>
        tpu.vector_store %arg8[%swap3A_671, %swap3A_672, %swap3A_673], %swap3A_676 {add = true, strides = array<i32>} : memref<2x16x768xf32, #tpu.memory_space<vmem>>, vector<1x1x16xf32>,
        %swap3A_677 = arith.constant 0 : i32
        %swap3A_678 = arith.index_cast %swap3A_677 : i32 to index
        %swap3A_679 = arith.index_cast %scan3A_132 : i32 to index
        %swap3A_680 = arith.constant 656 : index
        %swap3A_681 = tpu.vector_load %arg8[%swap3A_678, %swap3A_679, %swap3A_680] {strides = array<i32>} : memref<2x16x768xf32, #tpu.memory_space<vmem>>, vector<1x1x16xf32>,
        %swap3A_682 = vector.shape_cast %swap3A_681 : vector<1x1x16xf32> to vector<16xf32>
        %swap3A_683 = vector.shape_cast %get3A_583 : vector<16xf32> to vector<1x1x16xf32>
        tpu.vector_store %arg8[%swap3A_678, %swap3A_679, %swap3A_680], %swap3A_683 {add = true, strides = array<i32>} : memref<2x16x768xf32, #tpu.memory_space<vmem>>, vector<1x1x16xf32>,
        %swap3A_684 = arith.constant 0 : i32
        %swap3A_685 = arith.index_cast %swap3A_684 : i32 to index
        %swap3A_686 = arith.index_cast %scan3A_132 : i32 to index
        %swap3A_687 = arith.constant 672 : index
        %swap3A_688 = tpu.vector_load %arg8[%swap3A_685, %swap3A_686, %swap3A_687] {strides = array<i32>} : memref<2x16x768xf32, #tpu.memory_space<vmem>>, vector<1x1x16xf32>,
        %swap3A_689 = vector.shape_cast %swap3A_688 : vector<1x1x16xf32> to vector<16xf32>
        %swap3A_690 = vector.shape_cast %get3A_588 : vector<16xf32> to vector<1x1x16xf32>
        tpu.vector_store %arg8[%swap3A_685, %swap3A_686, %swap3A_687], %swap3A_690 {add = true, strides = array<i32>} : memref<2x16x768xf32, #tpu.memory_space<vmem>>, vector<1x1x16xf32>,
        %swap3A_691 = arith.constant 0 : i32
        %swap3A_692 = arith.index_cast %swap3A_691 : i32 to index
        %swap3A_693 = arith.index_cast %scan3A_132 : i32 to index
        %swap3A_694 = arith.constant 688 : index
        %swap3A_695 = tpu.vector_load %arg8[%swap3A_692, %swap3A_693, %swap3A_694] {strides = array<i32>} : memref<2x16x768xf32, #tpu.memory_space<vmem>>, vector<1x1x16xf32>,
        %swap3A_696 = vector.shape_cast %swap3A_695 : vector<1x1x16xf32> to vector<16xf32>
        %swap3A_697 = vector.shape_cast %get3A_593 : vector<16xf32> to vector<1x1x16xf32>
        tpu.vector_store %arg8[%swap3A_692, %swap3A_693, %swap3A_694], %swap3A_697 {add = true, strides = array<i32>} : memref<2x16x768xf32, #tpu.memory_space<vmem>>, vector<1x1x16xf32>,
        %swap3A_698 = arith.constant 0 : i32
        %swap3A_699 = arith.index_cast %swap3A_698 : i32 to index
        %swap3A_700 = arith.index_cast %scan3A_132 : i32 to index
        %swap3A_701 = arith.constant 704 : index
        %swap3A_702 = tpu.vector_load %arg8[%swap3A_699, %swap3A_700, %swap3A_701] {strides = array<i32>} : memref<2x16x768xf32, #tpu.memory_space<vmem>>, vector<1x1x16xf32>,
        %swap3A_703 = vector.shape_cast %swap3A_702 : vector<1x1x16xf32> to vector<16xf32>
        %swap3A_704 = vector.shape_cast %get3A_598 : vector<16xf32> to vector<1x1x16xf32>
        tpu.vector_store %arg8[%swap3A_699, %swap3A_700, %swap3A_701], %swap3A_704 {add = true, strides = array<i32>} : memref<2x16x768xf32, #tpu.memory_space<vmem>>, vector<1x1x16xf32>,
        %swap3A_705 = arith.constant 0 : i32
        %swap3A_706 = arith.index_cast %swap3A_705 : i32 to index
        %swap3A_707 = arith.index_cast %scan3A_132 : i32 to index
        %swap3A_708 = arith.constant 720 : index
        %swap3A_709 = tpu.vector_load %arg8[%swap3A_706, %swap3A_707, %swap3A_708] {strides = array<i32>} : memref<2x16x768xf32, #tpu.memory_space<vmem>>, vector<1x1x16xf32>,
        %swap3A_710 = vector.shape_cast %swap3A_709 : vector<1x1x16xf32> to vector<16xf32>
        %swap3A_711 = vector.shape_cast %get3A_603 : vector<16xf32> to vector<1x1x16xf32>
        tpu.vector_store %arg8[%swap3A_706, %swap3A_707, %swap3A_708], %swap3A_711 {add = true, strides = array<i32>} : memref<2x16x768xf32, #tpu.memory_space<vmem>>, vector<1x1x16xf32>,
        %swap3A_712 = arith.constant 0 : i32
        %swap3A_713 = arith.index_cast %swap3A_712 : i32 to index
        %swap3A_714 = arith.index_cast %scan3A_132 : i32 to index
        %swap3A_715 = arith.constant 736 : index
        %swap3A_716 = tpu.vector_load %arg8[%swap3A_713, %swap3A_714, %swap3A_715] {strides = array<i32>} : memref<2x16x768xf32, #tpu.memory_space<vmem>>, vector<1x1x16xf32>,
        %swap3A_717 = vector.shape_cast %swap3A_716 : vector<1x1x16xf32> to vector<16xf32>
        %swap3A_718 = vector.shape_cast %get3A_608 : vector<16xf32> to vector<1x1x16xf32>
        tpu.vector_store %arg8[%swap3A_713, %swap3A_714, %swap3A_715], %swap3A_718 {add = true, strides = array<i32>} : memref<2x16x768xf32, #tpu.memory_space<vmem>>, vector<1x1x16xf32>,
        %swap3A_719 = arith.constant 0 : i32
        %swap3A_720 = arith.index_cast %swap3A_719 : i32 to index
        %swap3A_721 = arith.index_cast %scan3A_132 : i32 to index
        %swap3A_722 = arith.constant 752 : index
        %swap3A_723 = tpu.vector_load %arg8[%swap3A_720, %swap3A_721, %swap3A_722] {strides = array<i32>} : memref<2x16x768xf32, #tpu.memory_space<vmem>>, vector<1x1x16xf32>,
        %swap3A_724 = vector.shape_cast %swap3A_723 : vector<1x1x16xf32> to vector<16xf32>
        %swap3A_725 = vector.shape_cast %get3A_613 : vector<16xf32> to vector<1x1x16xf32>
        tpu.vector_store %arg8[%swap3A_720, %swap3A_721, %swap3A_722], %swap3A_725 {add = true, strides = array<i32>} : memref<2x16x768xf32, #tpu.memory_space<vmem>>, vector<1x1x16xf32>,
      }
      %scan3A_63 = arith.constant 16 : i32
      %mul3A_64 = arith.constant 16 : i32
      %mul3A_65 = arith.muli %add3A_35, %mul3A_64 : i32
      %add3A_66 = arith.addi %mul3A_2, %mul3A_65 : i32
      %dma_start3A_67 = arith.constant 0 : i32
      %dma_start3A_68 = arith.constant 0 : i32
      %dma_start3A_69 = arith.constant 0 : i32
      %dma_start3A_70 = tpu.memref_slice %arg8[%dma_start3A_67, %dma_start3A_68, %dma_start3A_69] : memref<2x16x768xf32, #tpu.memory_space<vmem>> -> memref<1x16x768xf32, #tpu.memory_space<vmem>>
      %dma_start3A_71 = tpu.memref_squeeze %dma_start3A_70 : memref<1x16x768xf32, #tpu.memory_space<vmem>> -> memref<16x768xf32, #tpu.memory_space<vmem>>
      %dma_start3A_72 = arith.constant 0 : i32
      %dma_start3A_73 = tpu.memref_slice %arg5[%add3A_66, %dma_start3A_72] : memref<78848x768xf32, #tpu.memory_space<hbm>> -> memref<16x768xf32, #tpu.memory_space<hbm>>
      %dma_start3A_74 = arith.constant 0 : i32
      %dma_start3A_75 = tpu.memref_slice %arg5[%add3A_66, %dma_start3A_74] : memref<78848x768xf32, #tpu.memory_space<hbm>> -> memref<16x768xf32, #tpu.memory_space<hbm>>
      %dma_start3A_76 = arith.constant 0 : i32
      %dma_start3A_77 = arith.constant 0 : i32
      %dma_start3A_78 = tpu.memref_slice %arg8[%dma_start3A_67, %dma_start3A_76, %dma_start3A_77] : memref<2x16x768xf32, #tpu.memory_space<vmem>> -> memref<1x16x768xf32, #tpu.memory_space<vmem>>
      %dma_start3A_79 = tpu.memref_squeeze %dma_start3A_78 : memref<1x16x768xf32, #tpu.memory_space<vmem>> -> memref<16x768xf32, #tpu.memory_space<vmem>>
      tpu.enqueue_dma source(%dma_start3A_79 : memref<16x768xf32, #tpu.memory_space<vmem>>) target(%dma_start3A_75 : memref<16x768xf32, #tpu.memory_space<hbm>>) target_semaphore(%arg11 : memref<!tpu.dma_semaphore, #tpu.memory_space<semaphore_mem>>)
      %mul3A_80 = arith.constant 2 : i32
      %mul3A_81 = arith.muli %scan3A_31, %mul3A_80 : i32
      %add3A_82 = arith.constant 1 : i32
      %add3A_83 = arith.addi %mul3A_81, %add3A_82 : i32
      %ge3A_84 = arith.constant 1 : i32
      %ge3A_85 = arith.cmpi sge, %add3A_83, %ge3A_84 : i32
      %convert_element_type3A_86 = arith.extui %ge3A_85 : i1 to i32
      %cond3A_87 = arith.constant 0 : i32
      %cond3A_88 = arith.cmpi ne, %convert_element_type3A_86, %cond3A_87 : i32
      scf.if %cond3A_88 {
        %sub3A = arith.constant 1 : i32
        %sub3A_132 = arith.subi %add3A_83, %sub3A : i32
        %mul3A_133 = arith.constant 16 : i32
        %mul3A_134 = arith.muli %sub3A_132, %mul3A_133 : i32
        %add3A_135 = arith.addi %mul3A_2, %mul3A_134 : i32
        %dma_wait3A_136 = arith.constant 0 : i32
        %dma_wait3A_137 = arith.constant 0 : i32
        %dma_wait3A_138 = arith.constant 0 : i32
        %dma_wait3A_139 = tpu.memref_slice %arg8[%dma_wait3A_136, %dma_wait3A_137, %dma_wait3A_138] : memref<2x16x768xf32, #tpu.memory_space<vmem>> -> memref<1x16x768xf32, #tpu.memory_space<vmem>>
        %dma_wait3A_140 = tpu.memref_squeeze %dma_wait3A_139 : memref<1x16x768xf32, #tpu.memory_space<vmem>> -> memref<16x768xf32, #tpu.memory_space<vmem>>
        %dma_wait3A_141 = arith.constant 0 : i32
        %dma_wait3A_142 = tpu.memref_slice %arg5[%add3A_135, %dma_wait3A_141] : memref<78848x768xf32, #tpu.memory_space<hbm>> -> memref<16x768xf32, #tpu.memory_space<hbm>>
        %dma_wait3A_143 = arith.constant 0 : i32
        %dma_wait3A_144 = tpu.memref_slice %arg5[%add3A_135, %dma_wait3A_143] : memref<78848x768xf32, #tpu.memory_space<hbm>> -> memref<16x768xf32, #tpu.memory_space<hbm>>
        %dma_wait3A_145 = arith.constant 0 : i32
        %dma_wait3A_146 = arith.constant 0 : i32
        %dma_wait3A_147 = tpu.memref_slice %arg8[%dma_wait3A_136, %dma_wait3A_145, %dma_wait3A_146] : memref<2x16x768xf32, #tpu.memory_space<vmem>> -> memref<1x16x768xf32, #tpu.memory_space<vmem>>
        %dma_wait3A_148 = tpu.memref_squeeze %dma_wait3A_147 : memref<1x16x768xf32, #tpu.memory_space<vmem>> -> memref<16x768xf32, #tpu.memory_space<vmem>>
        tpu.wait_dma2 semaphore(%arg11 : memref<!tpu.dma_semaphore, #tpu.memory_space<semaphore_mem>>) src(%dma_wait3A_148 : memref<16x768xf32, #tpu.memory_space<vmem>>) dst(%dma_wait3A_144 : memref<16x768xf32, #tpu.memory_space<hbm>>)
      } else {
      }
      %add3A_89 = arith.constant 1 : i32
      %add3A_90 = arith.addi %add3A_83, %add3A_89 : i32
      %lt3A_91 = arith.constant 154 : i32
      %lt3A_92 = arith.cmpi slt, %add3A_90, %lt3A_91 : i32
      %convert_element_type3A_93 = arith.extui %lt3A_92 : i1 to i32
      %cond3A_94 = arith.constant 0 : i32
      %cond3A_95 = arith.cmpi ne, %convert_element_type3A_93, %cond3A_94 : i32
      scf.if %cond3A_95 {
        %add3A_132 = arith.constant 1 : i32
        %add3A_133 = arith.addi %add3A_83, %add3A_132 : i32
        %mul3A_134 = arith.constant 16 : i32
        %mul3A_135 = arith.muli %add3A_133, %mul3A_134 : i32
        %dma_start3A_136 = arith.constant 0 : i32
        %dma_start3A_137 = arith.constant 0 : i32
        %dma_start3A_138 = arith.constant 0 : i32
        %dma_start3A_139 = tpu.memref_slice %arg8[%dma_start3A_136, %dma_start3A_137, %dma_start3A_138] : memref<2x16x768xf32, #tpu.memory_space<vmem>> -> memref<1x16x768xf32, #tpu.memory_space<vmem>>
        %dma_start3A_140 = tpu.memref_squeeze %dma_start3A_139 : memref<1x16x768xf32, #tpu.memory_space<vmem>> -> memref<16x768xf32, #tpu.memory_space<vmem>>
        %dma_start3A_141 = tpu.memref_slice %arg6[%mul3A_135] : memref<2464xi32, #tpu.memory_space<vmem>> -> memref<16xi32, #tpu.memory_space<vmem>>
        %dma_start3A_142 = arith.constant 0 : i32
        %dma_start3A_143 = arith.constant 0 : i32
        %dma_start3A_144 = tpu.memref_slice %arg3[%dma_start3A_142, %dma_start3A_143] : memref<49408x768xf32, #tpu.memory_space<hbm>> -> memref<49408x768xf32, #tpu.memory_space<hbm>>
        tpu.enqueue_indirect_dma source(%dma_start3A_144 : memref<49408x768xf32, #tpu.memory_space<hbm>>) target(%dma_start3A_140 : memref<16x768xf32, #tpu.memory_space<vmem>>) offsets(%dma_start3A_141 : memref<16xi32, #tpu.memory_space<vmem>>) semaphore(%arg9 : memref<!tpu.dma_semaphore, #tpu.memory_space<semaphore_mem>>)
      } else {
      }
      %mul3A_96 = arith.constant 16 : i32
      %mul3A_97 = arith.muli %add3A_83, %mul3A_96 : i32
      %dma_wait3A_98 = arith.constant 1 : i32
      %dma_wait3A_99 = arith.constant 0 : i32
      %dma_wait3A_100 = arith.constant 0 : i32
      %dma_wait3A_101 = tpu.memref_slice %arg8[%dma_wait3A_98, %dma_wait3A_99, %dma_wait3A_100] : memref<2x16x768xf32, #tpu.memory_space<vmem>> -> memref<1x16x768xf32, #tpu.memory_space<vmem>>
      %dma_wait3A_102 = tpu.memref_squeeze %dma_wait3A_101 : memref<1x16x768xf32, #tpu.memory_space<vmem>> -> memref<16x768xf32, #tpu.memory_space<vmem>>
      %dma_wait3A_103 = tpu.memref_slice %arg6[%mul3A_97] : memref<2464xi32, #tpu.memory_space<vmem>> -> memref<16xi32, #tpu.memory_space<vmem>>
      %dma_wait3A_104 = arith.constant 0 : i32
      %dma_wait3A_105 = arith.constant 0 : i32
      %dma_wait3A_106 = tpu.memref_slice %arg3[%dma_wait3A_104, %dma_wait3A_105] : memref<49408x768xf32, #tpu.memory_space<hbm>> -> memref<49408x768xf32, #tpu.memory_space<hbm>>
      tpu.wait_indirect_dma semaphore(%arg10 : memref<!tpu.dma_semaphore, #tpu.memory_space<semaphore_mem>>) src(%dma_wait3A_106 : memref<49408x768xf32, #tpu.memory_space<hbm>>) dst(%dma_wait3A_102 : memref<16x768xf32, #tpu.memory_space<vmem>>)
      %mul3A_107 = arith.constant 16 : i32
      %mul3A_108 = arith.muli %add3A_83, %mul3A_107 : i32
      %add3A_109 = arith.addi %mul3A_2, %mul3A_108 : i32
      %scan3A_110 = arith.constant 0 : i32
      %scan3A_111 = arith.constant 0 : i32
      %scan3A_112 = arith.constant 16 : i32
      %scan3A_113 = arith.addi %scan3A_111, %scan3A_112 : i32
      %scan3A_114 = arith.constant 1 : i32
      scf.for %scan3A_132 = %scan3A_111 to %scan3A_113 step %scan3A_114  : i32 {
        %add3A_133 = arith.addi %add3A_109, %scan3A_132 : i32
        %jit3A = arith.constant 1024 : i32
        %div3A = arith.divsi %add3A_133, %jit3A : i32
        %sign3A = arith.constant 0 : i32
        %sign3A_134 = arith.cmpi sgt, %add3A_133, %sign3A : i32
        %sign3A_135 = arith.extui %sign3A_134 : i1 to i32
        %sign3A_136 = arith.constant 0 : i32
        %sign3A_137 = arith.cmpi slt, %add3A_133, %sign3A_136 : i32
        %sign3A_138 = arith.extui %sign3A_137 : i1 to i32
        %sign3A_139 = arith.subi %sign3A_135, %sign3A_138 : i32
        %sign3A_140 = arith.constant 0 : i32
        %sign3A_141 = arith.cmpi sgt, %jit3A, %sign3A_140 : i32
        %sign3A_142 = arith.extui %sign3A_141 : i1 to i32
        %sign3A_143 = arith.constant 0 : i32
        %sign3A_144 = arith.cmpi slt, %jit3A, %sign3A_143 : i32
        %sign3A_145 = arith.extui %sign3A_144 : i1 to i32
        %sign3A_146 = arith.subi %sign3A_142, %sign3A_145 : i32
        %ne3A = arith.cmpi ne, %sign3A_139, %sign3A_146 : i32
        %rem3A = arith.remsi %add3A_133, %jit3A : i32
        %ne3A_147 = arith.constant 0 : i32
        %ne3A_148 = arith.cmpi ne, %rem3A, %ne3A_147 : i32
        %and3A = arith.andi %ne3A, %ne3A_148 : i1
        %sub3A = arith.constant 1 : i32
        %sub3A_149 = arith.subi %div3A, %sub3A : i32
        %select_n3A = arith.select %and3A, %sub3A_149, %div3A : i32
        %mul3A_150 = arith.constant 768 : i32
        %mul3A_151 = arith.muli %select_n3A, %mul3A_150 : i32
        %add3A_152 = arith.constant 0 : i32
        %add3A_153 = arith.addi %mul3A_151, %add3A_152 : i32
        %get3A = arith.index_cast %add3A_153 : i32 to index
        %get3A_154 = tpu.vector_load %arg7[%get3A] {strides = array<i32>} : memref<59136xf32, #tpu.memory_space<vmem>>, vector<16xf32>,
        %get3A_155 = vector.shape_cast %get3A_154 : vector<16xf32> to vector<16xf32>
        %add3A_156 = arith.constant 16 : i32
        %add3A_157 = arith.addi %mul3A_151, %add3A_156 : i32
        %get3A_158 = arith.index_cast %add3A_157 : i32 to index
        %get3A_159 = tpu.vector_load %arg7[%get3A_158] {strides = array<i32>} : memref<59136xf32, #tpu.memory_space<vmem>>, vector<16xf32>,
        %get3A_160 = vector.shape_cast %get3A_159 : vector<16xf32> to vector<16xf32>
        %add3A_161 = arith.constant 32 : i32
        %add3A_162 = arith.addi %mul3A_151, %add3A_161 : i32
        %get3A_163 = arith.index_cast %add3A_162 : i32 to index
        %get3A_164 = tpu.vector_load %arg7[%get3A_163] {strides = array<i32>} : memref<59136xf32, #tpu.memory_space<vmem>>, vector<16xf32>,
        %get3A_165 = vector.shape_cast %get3A_164 : vector<16xf32> to vector<16xf32>
        %add3A_166 = arith.constant 48 : i32
        %add3A_167 = arith.addi %mul3A_151, %add3A_166 : i32
        %get3A_168 = arith.index_cast %add3A_167 : i32 to index
        %get3A_169 = tpu.vector_load %arg7[%get3A_168] {strides = array<i32>} : memref<59136xf32, #tpu.memory_space<vmem>>, vector<16xf32>,
        %get3A_170 = vector.shape_cast %get3A_169 : vector<16xf32> to vector<16xf32>
        %add3A_171 = arith.constant 64 : i32
        %add3A_172 = arith.addi %mul3A_151, %add3A_171 : i32
        %get3A_173 = arith.index_cast %add3A_172 : i32 to index
        %get3A_174 = tpu.vector_load %arg7[%get3A_173] {strides = array<i32>} : memref<59136xf32, #tpu.memory_space<vmem>>, vector<16xf32>,
        %get3A_175 = vector.shape_cast %get3A_174 : vector<16xf32> to vector<16xf32>
        %add3A_176 = arith.constant 80 : i32
        %add3A_177 = arith.addi %mul3A_151, %add3A_176 : i32
        %get3A_178 = arith.index_cast %add3A_177 : i32 to index
        %get3A_179 = tpu.vector_load %arg7[%get3A_178] {strides = array<i32>} : memref<59136xf32, #tpu.memory_space<vmem>>, vector<16xf32>,
        %get3A_180 = vector.shape_cast %get3A_179 : vector<16xf32> to vector<16xf32>
        %add3A_181 = arith.constant 96 : i32
        %add3A_182 = arith.addi %mul3A_151, %add3A_181 : i32
        %get3A_183 = arith.index_cast %add3A_182 : i32 to index
        %get3A_184 = tpu.vector_load %arg7[%get3A_183] {strides = array<i32>} : memref<59136xf32, #tpu.memory_space<vmem>>, vector<16xf32>,
        %get3A_185 = vector.shape_cast %get3A_184 : vector<16xf32> to vector<16xf32>
        %add3A_186 = arith.constant 112 : i32
        %add3A_187 = arith.addi %mul3A_151, %add3A_186 : i32
        %get3A_188 = arith.index_cast %add3A_187 : i32 to index
        %get3A_189 = tpu.vector_load %arg7[%get3A_188] {strides = array<i32>} : memref<59136xf32, #tpu.memory_space<vmem>>, vector<16xf32>,
        %get3A_190 = vector.shape_cast %get3A_189 : vector<16xf32> to vector<16xf32>
        %add3A_191 = arith.constant 128 : i32
        %add3A_192 = arith.addi %mul3A_151, %add3A_191 : i32
        %get3A_193 = arith.index_cast %add3A_192 : i32 to index
        %get3A_194 = tpu.vector_load %arg7[%get3A_193] {strides = array<i32>} : memref<59136xf32, #tpu.memory_space<vmem>>, vector<16xf32>,
        %get3A_195 = vector.shape_cast %get3A_194 : vector<16xf32> to vector<16xf32>
        %add3A_196 = arith.constant 144 : i32
        %add3A_197 = arith.addi %mul3A_151, %add3A_196 : i32
        %get3A_198 = arith.index_cast %add3A_197 : i32 to index
        %get3A_199 = tpu.vector_load %arg7[%get3A_198] {strides = array<i32>} : memref<59136xf32, #tpu.memory_space<vmem>>, vector<16xf32>,
        %get3A_200 = vector.shape_cast %get3A_199 : vector<16xf32> to vector<16xf32>
        %add3A_201 = arith.constant 160 : i32
        %add3A_202 = arith.addi %mul3A_151, %add3A_201 : i32
        %get3A_203 = arith.index_cast %add3A_202 : i32 to index
        %get3A_204 = tpu.vector_load %arg7[%get3A_203] {strides = array<i32>} : memref<59136xf32, #tpu.memory_space<vmem>>, vector<16xf32>,
        %get3A_205 = vector.shape_cast %get3A_204 : vector<16xf32> to vector<16xf32>
        %add3A_206 = arith.constant 176 : i32
        %add3A_207 = arith.addi %mul3A_151, %add3A_206 : i32
        %get3A_208 = arith.index_cast %add3A_207 : i32 to index
        %get3A_209 = tpu.vector_load %arg7[%get3A_208] {strides = array<i32>} : memref<59136xf32, #tpu.memory_space<vmem>>, vector<16xf32>,
        %get3A_210 = vector.shape_cast %get3A_209 : vector<16xf32> to vector<16xf32>
        %add3A_211 = arith.constant 192 : i32
        %add3A_212 = arith.addi %mul3A_151, %add3A_211 : i32
        %get3A_213 = arith.index_cast %add3A_212 : i32 to index
        %get3A_214 = tpu.vector_load %arg7[%get3A_213] {strides = array<i32>} : memref<59136xf32, #tpu.memory_space<vmem>>, vector<16xf32>,
        %get3A_215 = vector.shape_cast %get3A_214 : vector<16xf32> to vector<16xf32>
        %add3A_216 = arith.constant 208 : i32
        %add3A_217 = arith.addi %mul3A_151, %add3A_216 : i32
        %get3A_218 = arith.index_cast %add3A_217 : i32 to index
        %get3A_219 = tpu.vector_load %arg7[%get3A_218] {strides = array<i32>} : memref<59136xf32, #tpu.memory_space<vmem>>, vector<16xf32>,
        %get3A_220 = vector.shape_cast %get3A_219 : vector<16xf32> to vector<16xf32>
        %add3A_221 = arith.constant 224 : i32
        %add3A_222 = arith.addi %mul3A_151, %add3A_221 : i32
        %get3A_223 = arith.index_cast %add3A_222 : i32 to index
        %get3A_224 = tpu.vector_load %arg7[%get3A_223] {strides = array<i32>} : memref<59136xf32, #tpu.memory_space<vmem>>, vector<16xf32>,
        %get3A_225 = vector.shape_cast %get3A_224 : vector<16xf32> to vector<16xf32>
        %add3A_226 = arith.constant 240 : i32
        %add3A_227 = arith.addi %mul3A_151, %add3A_226 : i32
        %get3A_228 = arith.index_cast %add3A_227 : i32 to index
        %get3A_229 = tpu.vector_load %arg7[%get3A_228] {strides = array<i32>} : memref<59136xf32, #tpu.memory_space<vmem>>, vector<16xf32>,
        %get3A_230 = vector.shape_cast %get3A_229 : vector<16xf32> to vector<16xf32>
        %swap3A = arith.constant 1 : i32
        %swap3A_231 = arith.index_cast %swap3A : i32 to index
        %swap3A_232 = arith.index_cast %scan3A_132 : i32 to index
        %swap3A_233 = arith.constant 0 : index
        %swap3A_234 = tpu.vector_load %arg8[%swap3A_231, %swap3A_232, %swap3A_233] {strides = array<i32>} : memref<2x16x768xf32, #tpu.memory_space<vmem>>, vector<1x1x16xf32>,
        %swap3A_235 = vector.shape_cast %swap3A_234 : vector<1x1x16xf32> to vector<16xf32>
        %swap3A_236 = vector.shape_cast %get3A_155 : vector<16xf32> to vector<1x1x16xf32>
        tpu.vector_store %arg8[%swap3A_231, %swap3A_232, %swap3A_233], %swap3A_236 {add = true, strides = array<i32>} : memref<2x16x768xf32, #tpu.memory_space<vmem>>, vector<1x1x16xf32>,
        %swap3A_237 = arith.constant 1 : i32
        %swap3A_238 = arith.index_cast %swap3A_237 : i32 to index
        %swap3A_239 = arith.index_cast %scan3A_132 : i32 to index
        %swap3A_240 = arith.constant 16 : index
        %swap3A_241 = tpu.vector_load %arg8[%swap3A_238, %swap3A_239, %swap3A_240] {strides = array<i32>} : memref<2x16x768xf32, #tpu.memory_space<vmem>>, vector<1x1x16xf32>,
        %swap3A_242 = vector.shape_cast %swap3A_241 : vector<1x1x16xf32> to vector<16xf32>
        %swap3A_243 = vector.shape_cast %get3A_160 : vector<16xf32> to vector<1x1x16xf32>
        tpu.vector_store %arg8[%swap3A_238, %swap3A_239, %swap3A_240], %swap3A_243 {add = true, strides = array<i32>} : memref<2x16x768xf32, #tpu.memory_space<vmem>>, vector<1x1x16xf32>,
        %swap3A_244 = arith.constant 1 : i32
        %swap3A_245 = arith.index_cast %swap3A_244 : i32 to index
        %swap3A_246 = arith.index_cast %scan3A_132 : i32 to index
        %swap3A_247 = arith.constant 32 : index
        %swap3A_248 = tpu.vector_load %arg8[%swap3A_245, %swap3A_246, %swap3A_247] {strides = array<i32>} : memref<2x16x768xf32, #tpu.memory_space<vmem>>, vector<1x1x16xf32>,
        %swap3A_249 = vector.shape_cast %swap3A_248 : vector<1x1x16xf32> to vector<16xf32>
        %swap3A_250 = vector.shape_cast %get3A_165 : vector<16xf32> to vector<1x1x16xf32>
        tpu.vector_store %arg8[%swap3A_245, %swap3A_246, %swap3A_247], %swap3A_250 {add = true, strides = array<i32>} : memref<2x16x768xf32, #tpu.memory_space<vmem>>, vector<1x1x16xf32>,
        %swap3A_251 = arith.constant 1 : i32
        %swap3A_252 = arith.index_cast %swap3A_251 : i32 to index
        %swap3A_253 = arith.index_cast %scan3A_132 : i32 to index
        %swap3A_254 = arith.constant 48 : index
        %swap3A_255 = tpu.vector_load %arg8[%swap3A_252, %swap3A_253, %swap3A_254] {strides = array<i32>} : memref<2x16x768xf32, #tpu.memory_space<vmem>>, vector<1x1x16xf32>,
        %swap3A_256 = vector.shape_cast %swap3A_255 : vector<1x1x16xf32> to vector<16xf32>
        %swap3A_257 = vector.shape_cast %get3A_170 : vector<16xf32> to vector<1x1x16xf32>
        tpu.vector_store %arg8[%swap3A_252, %swap3A_253, %swap3A_254], %swap3A_257 {add = true, strides = array<i32>} : memref<2x16x768xf32, #tpu.memory_space<vmem>>, vector<1x1x16xf32>,
        %swap3A_258 = arith.constant 1 : i32
        %swap3A_259 = arith.index_cast %swap3A_258 : i32 to index
        %swap3A_260 = arith.index_cast %scan3A_132 : i32 to index
        %swap3A_261 = arith.constant 64 : index
        %swap3A_262 = tpu.vector_load %arg8[%swap3A_259, %swap3A_260, %swap3A_261] {strides = array<i32>} : memref<2x16x768xf32, #tpu.memory_space<vmem>>, vector<1x1x16xf32>,
        %swap3A_263 = vector.shape_cast %swap3A_262 : vector<1x1x16xf32> to vector<16xf32>
        %swap3A_264 = vector.shape_cast %get3A_175 : vector<16xf32> to vector<1x1x16xf32>
        tpu.vector_store %arg8[%swap3A_259, %swap3A_260, %swap3A_261], %swap3A_264 {add = true, strides = array<i32>} : memref<2x16x768xf32, #tpu.memory_space<vmem>>, vector<1x1x16xf32>,
        %swap3A_265 = arith.constant 1 : i32
        %swap3A_266 = arith.index_cast %swap3A_265 : i32 to index
        %swap3A_267 = arith.index_cast %scan3A_132 : i32 to index
        %swap3A_268 = arith.constant 80 : index
        %swap3A_269 = tpu.vector_load %arg8[%swap3A_266, %swap3A_267, %swap3A_268] {strides = array<i32>} : memref<2x16x768xf32, #tpu.memory_space<vmem>>, vector<1x1x16xf32>,
        %swap3A_270 = vector.shape_cast %swap3A_269 : vector<1x1x16xf32> to vector<16xf32>
        %swap3A_271 = vector.shape_cast %get3A_180 : vector<16xf32> to vector<1x1x16xf32>
        tpu.vector_store %arg8[%swap3A_266, %swap3A_267, %swap3A_268], %swap3A_271 {add = true, strides = array<i32>} : memref<2x16x768xf32, #tpu.memory_space<vmem>>, vector<1x1x16xf32>,
        %swap3A_272 = arith.constant 1 : i32
        %swap3A_273 = arith.index_cast %swap3A_272 : i32 to index
        %swap3A_274 = arith.index_cast %scan3A_132 : i32 to index
        %swap3A_275 = arith.constant 96 : index
        %swap3A_276 = tpu.vector_load %arg8[%swap3A_273, %swap3A_274, %swap3A_275] {strides = array<i32>} : memref<2x16x768xf32, #tpu.memory_space<vmem>>, vector<1x1x16xf32>,
        %swap3A_277 = vector.shape_cast %swap3A_276 : vector<1x1x16xf32> to vector<16xf32>
        %swap3A_278 = vector.shape_cast %get3A_185 : vector<16xf32> to vector<1x1x16xf32>
        tpu.vector_store %arg8[%swap3A_273, %swap3A_274, %swap3A_275], %swap3A_278 {add = true, strides = array<i32>} : memref<2x16x768xf32, #tpu.memory_space<vmem>>, vector<1x1x16xf32>,
        %swap3A_279 = arith.constant 1 : i32
        %swap3A_280 = arith.index_cast %swap3A_279 : i32 to index
        %swap3A_281 = arith.index_cast %scan3A_132 : i32 to index
        %swap3A_282 = arith.constant 112 : index
        %swap3A_283 = tpu.vector_load %arg8[%swap3A_280, %swap3A_281, %swap3A_282] {strides = array<i32>} : memref<2x16x768xf32, #tpu.memory_space<vmem>>, vector<1x1x16xf32>,
        %swap3A_284 = vector.shape_cast %swap3A_283 : vector<1x1x16xf32> to vector<16xf32>
        %swap3A_285 = vector.shape_cast %get3A_190 : vector<16xf32> to vector<1x1x16xf32>
        tpu.vector_store %arg8[%swap3A_280, %swap3A_281, %swap3A_282], %swap3A_285 {add = true, strides = array<i32>} : memref<2x16x768xf32, #tpu.memory_space<vmem>>, vector<1x1x16xf32>,
        %add3A_286 = arith.constant 256 : i32
        %add3A_287 = arith.addi %mul3A_151, %add3A_286 : i32
        %get3A_288 = arith.index_cast %add3A_287 : i32 to index
        %get3A_289 = tpu.vector_load %arg7[%get3A_288] {strides = array<i32>} : memref<59136xf32, #tpu.memory_space<vmem>>, vector<16xf32>,
        %get3A_290 = vector.shape_cast %get3A_289 : vector<16xf32> to vector<16xf32>
        %add3A_291 = arith.constant 272 : i32
        %add3A_292 = arith.addi %mul3A_151, %add3A_291 : i32
        %get3A_293 = arith.index_cast %add3A_292 : i32 to index
        %get3A_294 = tpu.vector_load %arg7[%get3A_293] {strides = array<i32>} : memref<59136xf32, #tpu.memory_space<vmem>>, vector<16xf32>,
        %get3A_295 = vector.shape_cast %get3A_294 : vector<16xf32> to vector<16xf32>
        %add3A_296 = arith.constant 288 : i32
        %add3A_297 = arith.addi %mul3A_151, %add3A_296 : i32
        %get3A_298 = arith.index_cast %add3A_297 : i32 to index
        %get3A_299 = tpu.vector_load %arg7[%get3A_298] {strides = array<i32>} : memref<59136xf32, #tpu.memory_space<vmem>>, vector<16xf32>,
        %get3A_300 = vector.shape_cast %get3A_299 : vector<16xf32> to vector<16xf32>
        %add3A_301 = arith.constant 304 : i32
        %add3A_302 = arith.addi %mul3A_151, %add3A_301 : i32
        %get3A_303 = arith.index_cast %add3A_302 : i32 to index
        %get3A_304 = tpu.vector_load %arg7[%get3A_303] {strides = array<i32>} : memref<59136xf32, #tpu.memory_space<vmem>>, vector<16xf32>,
        %get3A_305 = vector.shape_cast %get3A_304 : vector<16xf32> to vector<16xf32>
        %add3A_306 = arith.constant 320 : i32
        %add3A_307 = arith.addi %mul3A_151, %add3A_306 : i32
        %get3A_308 = arith.index_cast %add3A_307 : i32 to index
        %get3A_309 = tpu.vector_load %arg7[%get3A_308] {strides = array<i32>} : memref<59136xf32, #tpu.memory_space<vmem>>, vector<16xf32>,
        %get3A_310 = vector.shape_cast %get3A_309 : vector<16xf32> to vector<16xf32>
        %add3A_311 = arith.constant 336 : i32
        %add3A_312 = arith.addi %mul3A_151, %add3A_311 : i32
        %get3A_313 = arith.index_cast %add3A_312 : i32 to index
        %get3A_314 = tpu.vector_load %arg7[%get3A_313] {strides = array<i32>} : memref<59136xf32, #tpu.memory_space<vmem>>, vector<16xf32>,
        %get3A_315 = vector.shape_cast %get3A_314 : vector<16xf32> to vector<16xf32>
        %add3A_316 = arith.constant 352 : i32
        %add3A_317 = arith.addi %mul3A_151, %add3A_316 : i32
        %get3A_318 = arith.index_cast %add3A_317 : i32 to index
        %get3A_319 = tpu.vector_load %arg7[%get3A_318] {strides = array<i32>} : memref<59136xf32, #tpu.memory_space<vmem>>, vector<16xf32>,
        %get3A_320 = vector.shape_cast %get3A_319 : vector<16xf32> to vector<16xf32>
        %add3A_321 = arith.constant 368 : i32
        %add3A_322 = arith.addi %mul3A_151, %add3A_321 : i32
        %get3A_323 = arith.index_cast %add3A_322 : i32 to index
        %get3A_324 = tpu.vector_load %arg7[%get3A_323] {strides = array<i32>} : memref<59136xf32, #tpu.memory_space<vmem>>, vector<16xf32>,
        %get3A_325 = vector.shape_cast %get3A_324 : vector<16xf32> to vector<16xf32>
        %swap3A_326 = arith.constant 1 : i32
        %swap3A_327 = arith.index_cast %swap3A_326 : i32 to index
        %swap3A_328 = arith.index_cast %scan3A_132 : i32 to index
        %swap3A_329 = arith.constant 128 : index
        %swap3A_330 = tpu.vector_load %arg8[%swap3A_327, %swap3A_328, %swap3A_329] {strides = array<i32>} : memref<2x16x768xf32, #tpu.memory_space<vmem>>, vector<1x1x16xf32>,
        %swap3A_331 = vector.shape_cast %swap3A_330 : vector<1x1x16xf32> to vector<16xf32>
        %swap3A_332 = vector.shape_cast %get3A_195 : vector<16xf32> to vector<1x1x16xf32>
        tpu.vector_store %arg8[%swap3A_327, %swap3A_328, %swap3A_329], %swap3A_332 {add = true, strides = array<i32>} : memref<2x16x768xf32, #tpu.memory_space<vmem>>, vector<1x1x16xf32>,
        %swap3A_333 = arith.constant 1 : i32
        %swap3A_334 = arith.index_cast %swap3A_333 : i32 to index
        %swap3A_335 = arith.index_cast %scan3A_132 : i32 to index
        %swap3A_336 = arith.constant 144 : index
        %swap3A_337 = tpu.vector_load %arg8[%swap3A_334, %swap3A_335, %swap3A_336] {strides = array<i32>} : memref<2x16x768xf32, #tpu.memory_space<vmem>>, vector<1x1x16xf32>,
        %swap3A_338 = vector.shape_cast %swap3A_337 : vector<1x1x16xf32> to vector<16xf32>
        %swap3A_339 = vector.shape_cast %get3A_200 : vector<16xf32> to vector<1x1x16xf32>
        tpu.vector_store %arg8[%swap3A_334, %swap3A_335, %swap3A_336], %swap3A_339 {add = true, strides = array<i32>} : memref<2x16x768xf32, #tpu.memory_space<vmem>>, vector<1x1x16xf32>,
        %swap3A_340 = arith.constant 1 : i32
        %swap3A_341 = arith.index_cast %swap3A_340 : i32 to index
        %swap3A_342 = arith.index_cast %scan3A_132 : i32 to index
        %swap3A_343 = arith.constant 160 : index
        %swap3A_344 = tpu.vector_load %arg8[%swap3A_341, %swap3A_342, %swap3A_343] {strides = array<i32>} : memref<2x16x768xf32, #tpu.memory_space<vmem>>, vector<1x1x16xf32>,
        %swap3A_345 = vector.shape_cast %swap3A_344 : vector<1x1x16xf32> to vector<16xf32>
        %swap3A_346 = vector.shape_cast %get3A_205 : vector<16xf32> to vector<1x1x16xf32>
        tpu.vector_store %arg8[%swap3A_341, %swap3A_342, %swap3A_343], %swap3A_346 {add = true, strides = array<i32>} : memref<2x16x768xf32, #tpu.memory_space<vmem>>, vector<1x1x16xf32>,
        %swap3A_347 = arith.constant 1 : i32
        %swap3A_348 = arith.index_cast %swap3A_347 : i32 to index
        %swap3A_349 = arith.index_cast %scan3A_132 : i32 to index
        %swap3A_350 = arith.constant 176 : index
        %swap3A_351 = tpu.vector_load %arg8[%swap3A_348, %swap3A_349, %swap3A_350] {strides = array<i32>} : memref<2x16x768xf32, #tpu.memory_space<vmem>>, vector<1x1x16xf32>,
        %swap3A_352 = vector.shape_cast %swap3A_351 : vector<1x1x16xf32> to vector<16xf32>
        %swap3A_353 = vector.shape_cast %get3A_210 : vector<16xf32> to vector<1x1x16xf32>
        tpu.vector_store %arg8[%swap3A_348, %swap3A_349, %swap3A_350], %swap3A_353 {add = true, strides = array<i32>} : memref<2x16x768xf32, #tpu.memory_space<vmem>>, vector<1x1x16xf32>,
        %swap3A_354 = arith.constant 1 : i32
        %swap3A_355 = arith.index_cast %swap3A_354 : i32 to index
        %swap3A_356 = arith.index_cast %scan3A_132 : i32 to index
        %swap3A_357 = arith.constant 192 : index
        %swap3A_358 = tpu.vector_load %arg8[%swap3A_355, %swap3A_356, %swap3A_357] {strides = array<i32>} : memref<2x16x768xf32, #tpu.memory_space<vmem>>, vector<1x1x16xf32>,
        %swap3A_359 = vector.shape_cast %swap3A_358 : vector<1x1x16xf32> to vector<16xf32>
        %swap3A_360 = vector.shape_cast %get3A_215 : vector<16xf32> to vector<1x1x16xf32>
        tpu.vector_store %arg8[%swap3A_355, %swap3A_356, %swap3A_357], %swap3A_360 {add = true, strides = array<i32>} : memref<2x16x768xf32, #tpu.memory_space<vmem>>, vector<1x1x16xf32>,
        %swap3A_361 = arith.constant 1 : i32
        %swap3A_362 = arith.index_cast %swap3A_361 : i32 to index
        %swap3A_363 = arith.index_cast %scan3A_132 : i32 to index
        %swap3A_364 = arith.constant 208 : index
        %swap3A_365 = tpu.vector_load %arg8[%swap3A_362, %swap3A_363, %swap3A_364] {strides = array<i32>} : memref<2x16x768xf32, #tpu.memory_space<vmem>>, vector<1x1x16xf32>,
        %swap3A_366 = vector.shape_cast %swap3A_365 : vector<1x1x16xf32> to vector<16xf32>
        %swap3A_367 = vector.shape_cast %get3A_220 : vector<16xf32> to vector<1x1x16xf32>
        tpu.vector_store %arg8[%swap3A_362, %swap3A_363, %swap3A_364], %swap3A_367 {add = true, strides = array<i32>} : memref<2x16x768xf32, #tpu.memory_space<vmem>>, vector<1x1x16xf32>,
        %swap3A_368 = arith.constant 1 : i32
        %swap3A_369 = arith.index_cast %swap3A_368 : i32 to index
        %swap3A_370 = arith.index_cast %scan3A_132 : i32 to index
        %swap3A_371 = arith.constant 224 : index
        %swap3A_372 = tpu.vector_load %arg8[%swap3A_369, %swap3A_370, %swap3A_371] {strides = array<i32>} : memref<2x16x768xf32, #tpu.memory_space<vmem>>, vector<1x1x16xf32>,
        %swap3A_373 = vector.shape_cast %swap3A_372 : vector<1x1x16xf32> to vector<16xf32>
        %swap3A_374 = vector.shape_cast %get3A_225 : vector<16xf32> to vector<1x1x16xf32>
        tpu.vector_store %arg8[%swap3A_369, %swap3A_370, %swap3A_371], %swap3A_374 {add = true, strides = array<i32>} : memref<2x16x768xf32, #tpu.memory_space<vmem>>, vector<1x1x16xf32>,
        %swap3A_375 = arith.constant 1 : i32
        %swap3A_376 = arith.index_cast %swap3A_375 : i32 to index
        %swap3A_377 = arith.index_cast %scan3A_132 : i32 to index
        %swap3A_378 = arith.constant 240 : index
        %swap3A_379 = tpu.vector_load %arg8[%swap3A_376, %swap3A_377, %swap3A_378] {strides = array<i32>} : memref<2x16x768xf32, #tpu.memory_space<vmem>>, vector<1x1x16xf32>,
        %swap3A_380 = vector.shape_cast %swap3A_379 : vector<1x1x16xf32> to vector<16xf32>
        %swap3A_381 = vector.shape_cast %get3A_230 : vector<16xf32> to vector<1x1x16xf32>
        tpu.vector_store %arg8[%swap3A_376, %swap3A_377, %swap3A_378], %swap3A_381 {add = true, strides = array<i32>} : memref<2x16x768xf32, #tpu.memory_space<vmem>>, vector<1x1x16xf32>,
        %add3A_382 = arith.constant 384 : i32
        %add3A_383 = arith.addi %mul3A_151, %add3A_382 : i32
        %get3A_384 = arith.index_cast %add3A_383 : i32 to index
        %get3A_385 = tpu.vector_load %arg7[%get3A_384] {strides = array<i32>} : memref<59136xf32, #tpu.memory_space<vmem>>, vector<16xf32>,
        %get3A_386 = vector.shape_cast %get3A_385 : vector<16xf32> to vector<16xf32>
        %add3A_387 = arith.constant 400 : i32
        %add3A_388 = arith.addi %mul3A_151, %add3A_387 : i32
        %get3A_389 = arith.index_cast %add3A_388 : i32 to index
        %get3A_390 = tpu.vector_load %arg7[%get3A_389] {strides = array<i32>} : memref<59136xf32, #tpu.memory_space<vmem>>, vector<16xf32>,
        %get3A_391 = vector.shape_cast %get3A_390 : vector<16xf32> to vector<16xf32>
        %add3A_392 = arith.constant 416 : i32
        %add3A_393 = arith.addi %mul3A_151, %add3A_392 : i32
        %get3A_394 = arith.index_cast %add3A_393 : i32 to index
        %get3A_395 = tpu.vector_load %arg7[%get3A_394] {strides = array<i32>} : memref<59136xf32, #tpu.memory_space<vmem>>, vector<16xf32>,
        %get3A_396 = vector.shape_cast %get3A_395 : vector<16xf32> to vector<16xf32>
        %add3A_397 = arith.constant 432 : i32
        %add3A_398 = arith.addi %mul3A_151, %add3A_397 : i32
        %get3A_399 = arith.index_cast %add3A_398 : i32 to index
        %get3A_400 = tpu.vector_load %arg7[%get3A_399] {strides = array<i32>} : memref<59136xf32, #tpu.memory_space<vmem>>, vector<16xf32>,
        %get3A_401 = vector.shape_cast %get3A_400 : vector<16xf32> to vector<16xf32>
        %add3A_402 = arith.constant 448 : i32
        %add3A_403 = arith.addi %mul3A_151, %add3A_402 : i32
        %get3A_404 = arith.index_cast %add3A_403 : i32 to index
        %get3A_405 = tpu.vector_load %arg7[%get3A_404] {strides = array<i32>} : memref<59136xf32, #tpu.memory_space<vmem>>, vector<16xf32>,
        %get3A_406 = vector.shape_cast %get3A_405 : vector<16xf32> to vector<16xf32>
        %add3A_407 = arith.constant 464 : i32
        %add3A_408 = arith.addi %mul3A_151, %add3A_407 : i32
        %get3A_409 = arith.index_cast %add3A_408 : i32 to index
        %get3A_410 = tpu.vector_load %arg7[%get3A_409] {strides = array<i32>} : memref<59136xf32, #tpu.memory_space<vmem>>, vector<16xf32>,
        %get3A_411 = vector.shape_cast %get3A_410 : vector<16xf32> to vector<16xf32>
        %add3A_412 = arith.constant 480 : i32
        %add3A_413 = arith.addi %mul3A_151, %add3A_412 : i32
        %get3A_414 = arith.index_cast %add3A_413 : i32 to index
        %get3A_415 = tpu.vector_load %arg7[%get3A_414] {strides = array<i32>} : memref<59136xf32, #tpu.memory_space<vmem>>, vector<16xf32>,
        %get3A_416 = vector.shape_cast %get3A_415 : vector<16xf32> to vector<16xf32>
        %add3A_417 = arith.constant 496 : i32
        %add3A_418 = arith.addi %mul3A_151, %add3A_417 : i32
        %get3A_419 = arith.index_cast %add3A_418 : i32 to index
        %get3A_420 = tpu.vector_load %arg7[%get3A_419] {strides = array<i32>} : memref<59136xf32, #tpu.memory_space<vmem>>, vector<16xf32>,
        %get3A_421 = vector.shape_cast %get3A_420 : vector<16xf32> to vector<16xf32>
        %swap3A_422 = arith.constant 1 : i32
        %swap3A_423 = arith.index_cast %swap3A_422 : i32 to index
        %swap3A_424 = arith.index_cast %scan3A_132 : i32 to index
        %swap3A_425 = arith.constant 256 : index
        %swap3A_426 = tpu.vector_load %arg8[%swap3A_423, %swap3A_424, %swap3A_425] {strides = array<i32>} : memref<2x16x768xf32, #tpu.memory_space<vmem>>, vector<1x1x16xf32>,
        %swap3A_427 = vector.shape_cast %swap3A_426 : vector<1x1x16xf32> to vector<16xf32>
        %swap3A_428 = vector.shape_cast %get3A_290 : vector<16xf32> to vector<1x1x16xf32>
        tpu.vector_store %arg8[%swap3A_423, %swap3A_424, %swap3A_425], %swap3A_428 {add = true, strides = array<i32>} : memref<2x16x768xf32, #tpu.memory_space<vmem>>, vector<1x1x16xf32>,
        %swap3A_429 = arith.constant 1 : i32
        %swap3A_430 = arith.index_cast %swap3A_429 : i32 to index
        %swap3A_431 = arith.index_cast %scan3A_132 : i32 to index
        %swap3A_432 = arith.constant 272 : index
        %swap3A_433 = tpu.vector_load %arg8[%swap3A_430, %swap3A_431, %swap3A_432] {strides = array<i32>} : memref<2x16x768xf32, #tpu.memory_space<vmem>>, vector<1x1x16xf32>,
        %swap3A_434 = vector.shape_cast %swap3A_433 : vector<1x1x16xf32> to vector<16xf32>
        %swap3A_435 = vector.shape_cast %get3A_295 : vector<16xf32> to vector<1x1x16xf32>
        tpu.vector_store %arg8[%swap3A_430, %swap3A_431, %swap3A_432], %swap3A_435 {add = true, strides = array<i32>} : memref<2x16x768xf32, #tpu.memory_space<vmem>>, vector<1x1x16xf32>,
        %swap3A_436 = arith.constant 1 : i32
        %swap3A_437 = arith.index_cast %swap3A_436 : i32 to index
        %swap3A_438 = arith.index_cast %scan3A_132 : i32 to index
        %swap3A_439 = arith.constant 288 : index
        %swap3A_440 = tpu.vector_load %arg8[%swap3A_437, %swap3A_438, %swap3A_439] {strides = array<i32>} : memref<2x16x768xf32, #tpu.memory_space<vmem>>, vector<1x1x16xf32>,
        %swap3A_441 = vector.shape_cast %swap3A_440 : vector<1x1x16xf32> to vector<16xf32>
        %swap3A_442 = vector.shape_cast %get3A_300 : vector<16xf32> to vector<1x1x16xf32>
        tpu.vector_store %arg8[%swap3A_437, %swap3A_438, %swap3A_439], %swap3A_442 {add = true, strides = array<i32>} : memref<2x16x768xf32, #tpu.memory_space<vmem>>, vector<1x1x16xf32>,
        %swap3A_443 = arith.constant 1 : i32
        %swap3A_444 = arith.index_cast %swap3A_443 : i32 to index
        %swap3A_445 = arith.index_cast %scan3A_132 : i32 to index
        %swap3A_446 = arith.constant 304 : index
        %swap3A_447 = tpu.vector_load %arg8[%swap3A_444, %swap3A_445, %swap3A_446] {strides = array<i32>} : memref<2x16x768xf32, #tpu.memory_space<vmem>>, vector<1x1x16xf32>,
        %swap3A_448 = vector.shape_cast %swap3A_447 : vector<1x1x16xf32> to vector<16xf32>
        %swap3A_449 = vector.shape_cast %get3A_305 : vector<16xf32> to vector<1x1x16xf32>
        tpu.vector_store %arg8[%swap3A_444, %swap3A_445, %swap3A_446], %swap3A_449 {add = true, strides = array<i32>} : memref<2x16x768xf32, #tpu.memory_space<vmem>>, vector<1x1x16xf32>,
        %swap3A_450 = arith.constant 1 : i32
        %swap3A_451 = arith.index_cast %swap3A_450 : i32 to index
        %swap3A_452 = arith.index_cast %scan3A_132 : i32 to index
        %swap3A_453 = arith.constant 320 : index
        %swap3A_454 = tpu.vector_load %arg8[%swap3A_451, %swap3A_452, %swap3A_453] {strides = array<i32>} : memref<2x16x768xf32, #tpu.memory_space<vmem>>, vector<1x1x16xf32>,
        %swap3A_455 = vector.shape_cast %swap3A_454 : vector<1x1x16xf32> to vector<16xf32>
        %swap3A_456 = vector.shape_cast %get3A_310 : vector<16xf32> to vector<1x1x16xf32>
        tpu.vector_store %arg8[%swap3A_451, %swap3A_452, %swap3A_453], %swap3A_456 {add = true, strides = array<i32>} : memref<2x16x768xf32, #tpu.memory_space<vmem>>, vector<1x1x16xf32>,
        %swap3A_457 = arith.constant 1 : i32
        %swap3A_458 = arith.index_cast %swap3A_457 : i32 to index
        %swap3A_459 = arith.index_cast %scan3A_132 : i32 to index
        %swap3A_460 = arith.constant 336 : index
        %swap3A_461 = tpu.vector_load %arg8[%swap3A_458, %swap3A_459, %swap3A_460] {strides = array<i32>} : memref<2x16x768xf32, #tpu.memory_space<vmem>>, vector<1x1x16xf32>,
        %swap3A_462 = vector.shape_cast %swap3A_461 : vector<1x1x16xf32> to vector<16xf32>
        %swap3A_463 = vector.shape_cast %get3A_315 : vector<16xf32> to vector<1x1x16xf32>
        tpu.vector_store %arg8[%swap3A_458, %swap3A_459, %swap3A_460], %swap3A_463 {add = true, strides = array<i32>} : memref<2x16x768xf32, #tpu.memory_space<vmem>>, vector<1x1x16xf32>,
        %swap3A_464 = arith.constant 1 : i32
        %swap3A_465 = arith.index_cast %swap3A_464 : i32 to index
        %swap3A_466 = arith.index_cast %scan3A_132 : i32 to index
        %swap3A_467 = arith.constant 352 : index
        %swap3A_468 = tpu.vector_load %arg8[%swap3A_465, %swap3A_466, %swap3A_467] {strides = array<i32>} : memref<2x16x768xf32, #tpu.memory_space<vmem>>, vector<1x1x16xf32>,
        %swap3A_469 = vector.shape_cast %swap3A_468 : vector<1x1x16xf32> to vector<16xf32>
        %swap3A_470 = vector.shape_cast %get3A_320 : vector<16xf32> to vector<1x1x16xf32>
        tpu.vector_store %arg8[%swap3A_465, %swap3A_466, %swap3A_467], %swap3A_470 {add = true, strides = array<i32>} : memref<2x16x768xf32, #tpu.memory_space<vmem>>, vector<1x1x16xf32>,
        %swap3A_471 = arith.constant 1 : i32
        %swap3A_472 = arith.index_cast %swap3A_471 : i32 to index
        %swap3A_473 = arith.index_cast %scan3A_132 : i32 to index
        %swap3A_474 = arith.constant 368 : index
        %swap3A_475 = tpu.vector_load %arg8[%swap3A_472, %swap3A_473, %swap3A_474] {strides = array<i32>} : memref<2x16x768xf32, #tpu.memory_space<vmem>>, vector<1x1x16xf32>,
        %swap3A_476 = vector.shape_cast %swap3A_475 : vector<1x1x16xf32> to vector<16xf32>
        %swap3A_477 = vector.shape_cast %get3A_325 : vector<16xf32> to vector<1x1x16xf32>
        tpu.vector_store %arg8[%swap3A_472, %swap3A_473, %swap3A_474], %swap3A_477 {add = true, strides = array<i32>} : memref<2x16x768xf32, #tpu.memory_space<vmem>>, vector<1x1x16xf32>,
        %add3A_478 = arith.constant 512 : i32
        %add3A_479 = arith.addi %mul3A_151, %add3A_478 : i32
        %get3A_480 = arith.index_cast %add3A_479 : i32 to index
        %get3A_481 = tpu.vector_load %arg7[%get3A_480] {strides = array<i32>} : memref<59136xf32, #tpu.memory_space<vmem>>, vector<16xf32>,
        %get3A_482 = vector.shape_cast %get3A_481 : vector<16xf32> to vector<16xf32>
        %add3A_483 = arith.constant 528 : i32
        %add3A_484 = arith.addi %mul3A_151, %add3A_483 : i32
        %get3A_485 = arith.index_cast %add3A_484 : i32 to index
        %get3A_486 = tpu.vector_load %arg7[%get3A_485] {strides = array<i32>} : memref<59136xf32, #tpu.memory_space<vmem>>, vector<16xf32>,
        %get3A_487 = vector.shape_cast %get3A_486 : vector<16xf32> to vector<16xf32>
        %add3A_488 = arith.constant 544 : i32
        %add3A_489 = arith.addi %mul3A_151, %add3A_488 : i32
        %get3A_490 = arith.index_cast %add3A_489 : i32 to index
        %get3A_491 = tpu.vector_load %arg7[%get3A_490] {strides = array<i32>} : memref<59136xf32, #tpu.memory_space<vmem>>, vector<16xf32>,
        %get3A_492 = vector.shape_cast %get3A_491 : vector<16xf32> to vector<16xf32>
        %add3A_493 = arith.constant 560 : i32
        %add3A_494 = arith.addi %mul3A_151, %add3A_493 : i32
        %get3A_495 = arith.index_cast %add3A_494 : i32 to index
        %get3A_496 = tpu.vector_load %arg7[%get3A_495] {strides = array<i32>} : memref<59136xf32, #tpu.memory_space<vmem>>, vector<16xf32>,
        %get3A_497 = vector.shape_cast %get3A_496 : vector<16xf32> to vector<16xf32>
        %add3A_498 = arith.constant 576 : i32
        %add3A_499 = arith.addi %mul3A_151, %add3A_498 : i32
        %get3A_500 = arith.index_cast %add3A_499 : i32 to index
        %get3A_501 = tpu.vector_load %arg7[%get3A_500] {strides = array<i32>} : memref<59136xf32, #tpu.memory_space<vmem>>, vector<16xf32>,
        %get3A_502 = vector.shape_cast %get3A_501 : vector<16xf32> to vector<16xf32>
        %add3A_503 = arith.constant 592 : i32
        %add3A_504 = arith.addi %mul3A_151, %add3A_503 : i32
        %get3A_505 = arith.index_cast %add3A_504 : i32 to index
        %get3A_506 = tpu.vector_load %arg7[%get3A_505] {strides = array<i32>} : memref<59136xf32, #tpu.memory_space<vmem>>, vector<16xf32>,
        %get3A_507 = vector.shape_cast %get3A_506 : vector<16xf32> to vector<16xf32>
        %add3A_508 = arith.constant 608 : i32
        %add3A_509 = arith.addi %mul3A_151, %add3A_508 : i32
        %get3A_510 = arith.index_cast %add3A_509 : i32 to index
        %get3A_511 = tpu.vector_load %arg7[%get3A_510] {strides = array<i32>} : memref<59136xf32, #tpu.memory_space<vmem>>, vector<16xf32>,
        %get3A_512 = vector.shape_cast %get3A_511 : vector<16xf32> to vector<16xf32>
        %add3A_513 = arith.constant 624 : i32
        %add3A_514 = arith.addi %mul3A_151, %add3A_513 : i32
        %get3A_515 = arith.index_cast %add3A_514 : i32 to index
        %get3A_516 = tpu.vector_load %arg7[%get3A_515] {strides = array<i32>} : memref<59136xf32, #tpu.memory_space<vmem>>, vector<16xf32>,
        %get3A_517 = vector.shape_cast %get3A_516 : vector<16xf32> to vector<16xf32>
        %swap3A_518 = arith.constant 1 : i32
        %swap3A_519 = arith.index_cast %swap3A_518 : i32 to index
        %swap3A_520 = arith.index_cast %scan3A_132 : i32 to index
        %swap3A_521 = arith.constant 384 : index
        %swap3A_522 = tpu.vector_load %arg8[%swap3A_519, %swap3A_520, %swap3A_521] {strides = array<i32>} : memref<2x16x768xf32, #tpu.memory_space<vmem>>, vector<1x1x16xf32>,
        %swap3A_523 = vector.shape_cast %swap3A_522 : vector<1x1x16xf32> to vector<16xf32>
        %swap3A_524 = vector.shape_cast %get3A_386 : vector<16xf32> to vector<1x1x16xf32>
        tpu.vector_store %arg8[%swap3A_519, %swap3A_520, %swap3A_521], %swap3A_524 {add = true, strides = array<i32>} : memref<2x16x768xf32, #tpu.memory_space<vmem>>, vector<1x1x16xf32>,
        %swap3A_525 = arith.constant 1 : i32
        %swap3A_526 = arith.index_cast %swap3A_525 : i32 to index
        %swap3A_527 = arith.index_cast %scan3A_132 : i32 to index
        %swap3A_528 = arith.constant 400 : index
        %swap3A_529 = tpu.vector_load %arg8[%swap3A_526, %swap3A_527, %swap3A_528] {strides = array<i32>} : memref<2x16x768xf32, #tpu.memory_space<vmem>>, vector<1x1x16xf32>,
        %swap3A_530 = vector.shape_cast %swap3A_529 : vector<1x1x16xf32> to vector<16xf32>
        %swap3A_531 = vector.shape_cast %get3A_391 : vector<16xf32> to vector<1x1x16xf32>
        tpu.vector_store %arg8[%swap3A_526, %swap3A_527, %swap3A_528], %swap3A_531 {add = true, strides = array<i32>} : memref<2x16x768xf32, #tpu.memory_space<vmem>>, vector<1x1x16xf32>,
        %swap3A_532 = arith.constant 1 : i32
        %swap3A_533 = arith.index_cast %swap3A_532 : i32 to index
        %swap3A_534 = arith.index_cast %scan3A_132 : i32 to index
        %swap3A_535 = arith.constant 416 : index
        %swap3A_536 = tpu.vector_load %arg8[%swap3A_533, %swap3A_534, %swap3A_535] {strides = array<i32>} : memref<2x16x768xf32, #tpu.memory_space<vmem>>, vector<1x1x16xf32>,
        %swap3A_537 = vector.shape_cast %swap3A_536 : vector<1x1x16xf32> to vector<16xf32>
        %swap3A_538 = vector.shape_cast %get3A_396 : vector<16xf32> to vector<1x1x16xf32>
        tpu.vector_store %arg8[%swap3A_533, %swap3A_534, %swap3A_535], %swap3A_538 {add = true, strides = array<i32>} : memref<2x16x768xf32, #tpu.memory_space<vmem>>, vector<1x1x16xf32>,
        %swap3A_539 = arith.constant 1 : i32
        %swap3A_540 = arith.index_cast %swap3A_539 : i32 to index
        %swap3A_541 = arith.index_cast %scan3A_132 : i32 to index
        %swap3A_542 = arith.constant 432 : index
        %swap3A_543 = tpu.vector_load %arg8[%swap3A_540, %swap3A_541, %swap3A_542] {strides = array<i32>} : memref<2x16x768xf32, #tpu.memory_space<vmem>>, vector<1x1x16xf32>,
        %swap3A_544 = vector.shape_cast %swap3A_543 : vector<1x1x16xf32> to vector<16xf32>
        %swap3A_545 = vector.shape_cast %get3A_401 : vector<16xf32> to vector<1x1x16xf32>
        tpu.vector_store %arg8[%swap3A_540, %swap3A_541, %swap3A_542], %swap3A_545 {add = true, strides = array<i32>} : memref<2x16x768xf32, #tpu.memory_space<vmem>>, vector<1x1x16xf32>,
        %swap3A_546 = arith.constant 1 : i32
        %swap3A_547 = arith.index_cast %swap3A_546 : i32 to index
        %swap3A_548 = arith.index_cast %scan3A_132 : i32 to index
        %swap3A_549 = arith.constant 448 : index
        %swap3A_550 = tpu.vector_load %arg8[%swap3A_547, %swap3A_548, %swap3A_549] {strides = array<i32>} : memref<2x16x768xf32, #tpu.memory_space<vmem>>, vector<1x1x16xf32>,
        %swap3A_551 = vector.shape_cast %swap3A_550 : vector<1x1x16xf32> to vector<16xf32>
        %swap3A_552 = vector.shape_cast %get3A_406 : vector<16xf32> to vector<1x1x16xf32>
        tpu.vector_store %arg8[%swap3A_547, %swap3A_548, %swap3A_549], %swap3A_552 {add = true, strides = array<i32>} : memref<2x16x768xf32, #tpu.memory_space<vmem>>, vector<1x1x16xf32>,
        %swap3A_553 = arith.constant 1 : i32
        %swap3A_554 = arith.index_cast %swap3A_553 : i32 to index
        %swap3A_555 = arith.index_cast %scan3A_132 : i32 to index
        %swap3A_556 = arith.constant 464 : index
        %swap3A_557 = tpu.vector_load %arg8[%swap3A_554, %swap3A_555, %swap3A_556] {strides = array<i32>} : memref<2x16x768xf32, #tpu.memory_space<vmem>>, vector<1x1x16xf32>,
        %swap3A_558 = vector.shape_cast %swap3A_557 : vector<1x1x16xf32> to vector<16xf32>
        %swap3A_559 = vector.shape_cast %get3A_411 : vector<16xf32> to vector<1x1x16xf32>
        tpu.vector_store %arg8[%swap3A_554, %swap3A_555, %swap3A_556], %swap3A_559 {add = true, strides = array<i32>} : memref<2x16x768xf32, #tpu.memory_space<vmem>>, vector<1x1x16xf32>,
        %swap3A_560 = arith.constant 1 : i32
        %swap3A_561 = arith.index_cast %swap3A_560 : i32 to index
        %swap3A_562 = arith.index_cast %scan3A_132 : i32 to index
        %swap3A_563 = arith.constant 480 : index
        %swap3A_564 = tpu.vector_load %arg8[%swap3A_561, %swap3A_562, %swap3A_563] {strides = array<i32>} : memref<2x16x768xf32, #tpu.memory_space<vmem>>, vector<1x1x16xf32>,
        %swap3A_565 = vector.shape_cast %swap3A_564 : vector<1x1x16xf32> to vector<16xf32>
        %swap3A_566 = vector.shape_cast %get3A_416 : vector<16xf32> to vector<1x1x16xf32>
        tpu.vector_store %arg8[%swap3A_561, %swap3A_562, %swap3A_563], %swap3A_566 {add = true, strides = array<i32>} : memref<2x16x768xf32, #tpu.memory_space<vmem>>, vector<1x1x16xf32>,
        %swap3A_567 = arith.constant 1 : i32
        %swap3A_568 = arith.index_cast %swap3A_567 : i32 to index
        %swap3A_569 = arith.index_cast %scan3A_132 : i32 to index
        %swap3A_570 = arith.constant 496 : index
        %swap3A_571 = tpu.vector_load %arg8[%swap3A_568, %swap3A_569, %swap3A_570] {strides = array<i32>} : memref<2x16x768xf32, #tpu.memory_space<vmem>>, vector<1x1x16xf32>,
        %swap3A_572 = vector.shape_cast %swap3A_571 : vector<1x1x16xf32> to vector<16xf32>
        %swap3A_573 = vector.shape_cast %get3A_421 : vector<16xf32> to vector<1x1x16xf32>
        tpu.vector_store %arg8[%swap3A_568, %swap3A_569, %swap3A_570], %swap3A_573 {add = true, strides = array<i32>} : memref<2x16x768xf32, #tpu.memory_space<vmem>>, vector<1x1x16xf32>,
        %add3A_574 = arith.constant 640 : i32
        %add3A_575 = arith.addi %mul3A_151, %add3A_574 : i32
        %get3A_576 = arith.index_cast %add3A_575 : i32 to index
        %get3A_577 = tpu.vector_load %arg7[%get3A_576] {strides = array<i32>} : memref<59136xf32, #tpu.memory_space<vmem>>, vector<16xf32>,
        %get3A_578 = vector.shape_cast %get3A_577 : vector<16xf32> to vector<16xf32>
        %add3A_579 = arith.constant 656 : i32
        %add3A_580 = arith.addi %mul3A_151, %add3A_579 : i32
        %get3A_581 = arith.index_cast %add3A_580 : i32 to index
        %get3A_582 = tpu.vector_load %arg7[%get3A_581] {strides = array<i32>} : memref<59136xf32, #tpu.memory_space<vmem>>, vector<16xf32>,
        %get3A_583 = vector.shape_cast %get3A_582 : vector<16xf32> to vector<16xf32>
        %add3A_584 = arith.constant 672 : i32
        %add3A_585 = arith.addi %mul3A_151, %add3A_584 : i32
        %get3A_586 = arith.index_cast %add3A_585 : i32 to index
        %get3A_587 = tpu.vector_load %arg7[%get3A_586] {strides = array<i32>} : memref<59136xf32, #tpu.memory_space<vmem>>, vector<16xf32>,
        %get3A_588 = vector.shape_cast %get3A_587 : vector<16xf32> to vector<16xf32>
        %add3A_589 = arith.constant 688 : i32
        %add3A_590 = arith.addi %mul3A_151, %add3A_589 : i32
        %get3A_591 = arith.index_cast %add3A_590 : i32 to index
        %get3A_592 = tpu.vector_load %arg7[%get3A_591] {strides = array<i32>} : memref<59136xf32, #tpu.memory_space<vmem>>, vector<16xf32>,
        %get3A_593 = vector.shape_cast %get3A_592 : vector<16xf32> to vector<16xf32>
        %add3A_594 = arith.constant 704 : i32
        %add3A_595 = arith.addi %mul3A_151, %add3A_594 : i32
        %get3A_596 = arith.index_cast %add3A_595 : i32 to index
        %get3A_597 = tpu.vector_load %arg7[%get3A_596] {strides = array<i32>} : memref<59136xf32, #tpu.memory_space<vmem>>, vector<16xf32>,
        %get3A_598 = vector.shape_cast %get3A_597 : vector<16xf32> to vector<16xf32>
        %add3A_599 = arith.constant 720 : i32
        %add3A_600 = arith.addi %mul3A_151, %add3A_599 : i32
        %get3A_601 = arith.index_cast %add3A_600 : i32 to index
        %get3A_602 = tpu.vector_load %arg7[%get3A_601] {strides = array<i32>} : memref<59136xf32, #tpu.memory_space<vmem>>, vector<16xf32>,
        %get3A_603 = vector.shape_cast %get3A_602 : vector<16xf32> to vector<16xf32>
        %add3A_604 = arith.constant 736 : i32
        %add3A_605 = arith.addi %mul3A_151, %add3A_604 : i32
        %get3A_606 = arith.index_cast %add3A_605 : i32 to index
        %get3A_607 = tpu.vector_load %arg7[%get3A_606] {strides = array<i32>} : memref<59136xf32, #tpu.memory_space<vmem>>, vector<16xf32>,
        %get3A_608 = vector.shape_cast %get3A_607 : vector<16xf32> to vector<16xf32>
        %add3A_609 = arith.constant 752 : i32
        %add3A_610 = arith.addi %mul3A_151, %add3A_609 : i32
        %get3A_611 = arith.index_cast %add3A_610 : i32 to index
        %get3A_612 = tpu.vector_load %arg7[%get3A_611] {strides = array<i32>} : memref<59136xf32, #tpu.memory_space<vmem>>, vector<16xf32>,
        %get3A_613 = vector.shape_cast %get3A_612 : vector<16xf32> to vector<16xf32>
        %swap3A_614 = arith.constant 1 : i32
        %swap3A_615 = arith.index_cast %swap3A_614 : i32 to index
        %swap3A_616 = arith.index_cast %scan3A_132 : i32 to index
        %swap3A_617 = arith.constant 512 : index
        %swap3A_618 = tpu.vector_load %arg8[%swap3A_615, %swap3A_616, %swap3A_617] {strides = array<i32>} : memref<2x16x768xf32, #tpu.memory_space<vmem>>, vector<1x1x16xf32>,
        %swap3A_619 = vector.shape_cast %swap3A_618 : vector<1x1x16xf32> to vector<16xf32>
        %swap3A_620 = vector.shape_cast %get3A_482 : vector<16xf32> to vector<1x1x16xf32>
        tpu.vector_store %arg8[%swap3A_615, %swap3A_616, %swap3A_617], %swap3A_620 {add = true, strides = array<i32>} : memref<2x16x768xf32, #tpu.memory_space<vmem>>, vector<1x1x16xf32>,
        %swap3A_621 = arith.constant 1 : i32
        %swap3A_622 = arith.index_cast %swap3A_621 : i32 to index
        %swap3A_623 = arith.index_cast %scan3A_132 : i32 to index
        %swap3A_624 = arith.constant 528 : index
        %swap3A_625 = tpu.vector_load %arg8[%swap3A_622, %swap3A_623, %swap3A_624] {strides = array<i32>} : memref<2x16x768xf32, #tpu.memory_space<vmem>>, vector<1x1x16xf32>,
        %swap3A_626 = vector.shape_cast %swap3A_625 : vector<1x1x16xf32> to vector<16xf32>
        %swap3A_627 = vector.shape_cast %get3A_487 : vector<16xf32> to vector<1x1x16xf32>
        tpu.vector_store %arg8[%swap3A_622, %swap3A_623, %swap3A_624], %swap3A_627 {add = true, strides = array<i32>} : memref<2x16x768xf32, #tpu.memory_space<vmem>>, vector<1x1x16xf32>,
        %swap3A_628 = arith.constant 1 : i32
        %swap3A_629 = arith.index_cast %swap3A_628 : i32 to index
        %swap3A_630 = arith.index_cast %scan3A_132 : i32 to index
        %swap3A_631 = arith.constant 544 : index
        %swap3A_632 = tpu.vector_load %arg8[%swap3A_629, %swap3A_630, %swap3A_631] {strides = array<i32>} : memref<2x16x768xf32, #tpu.memory_space<vmem>>, vector<1x1x16xf32>,
        %swap3A_633 = vector.shape_cast %swap3A_632 : vector<1x1x16xf32> to vector<16xf32>
        %swap3A_634 = vector.shape_cast %get3A_492 : vector<16xf32> to vector<1x1x16xf32>
        tpu.vector_store %arg8[%swap3A_629, %swap3A_630, %swap3A_631], %swap3A_634 {add = true, strides = array<i32>} : memref<2x16x768xf32, #tpu.memory_space<vmem>>, vector<1x1x16xf32>,
        %swap3A_635 = arith.constant 1 : i32
        %swap3A_636 = arith.index_cast %swap3A_635 : i32 to index
        %swap3A_637 = arith.index_cast %scan3A_132 : i32 to index
        %swap3A_638 = arith.constant 560 : index
        %swap3A_639 = tpu.vector_load %arg8[%swap3A_636, %swap3A_637, %swap3A_638] {strides = array<i32>} : memref<2x16x768xf32, #tpu.memory_space<vmem>>, vector<1x1x16xf32>,
        %swap3A_640 = vector.shape_cast %swap3A_639 : vector<1x1x16xf32> to vector<16xf32>
        %swap3A_641 = vector.shape_cast %get3A_497 : vector<16xf32> to vector<1x1x16xf32>
        tpu.vector_store %arg8[%swap3A_636, %swap3A_637, %swap3A_638], %swap3A_641 {add = true, strides = array<i32>} : memref<2x16x768xf32, #tpu.memory_space<vmem>>, vector<1x1x16xf32>,
        %swap3A_642 = arith.constant 1 : i32
        %swap3A_643 = arith.index_cast %swap3A_642 : i32 to index
        %swap3A_644 = arith.index_cast %scan3A_132 : i32 to index
        %swap3A_645 = arith.constant 576 : index
        %swap3A_646 = tpu.vector_load %arg8[%swap3A_643, %swap3A_644, %swap3A_645] {strides = array<i32>} : memref<2x16x768xf32, #tpu.memory_space<vmem>>, vector<1x1x16xf32>,
        %swap3A_647 = vector.shape_cast %swap3A_646 : vector<1x1x16xf32> to vector<16xf32>
        %swap3A_648 = vector.shape_cast %get3A_502 : vector<16xf32> to vector<1x1x16xf32>
        tpu.vector_store %arg8[%swap3A_643, %swap3A_644, %swap3A_645], %swap3A_648 {add = true, strides = array<i32>} : memref<2x16x768xf32, #tpu.memory_space<vmem>>, vector<1x1x16xf32>,
        %swap3A_649 = arith.constant 1 : i32
        %swap3A_650 = arith.index_cast %swap3A_649 : i32 to index
        %swap3A_651 = arith.index_cast %scan3A_132 : i32 to index
        %swap3A_652 = arith.constant 592 : index
        %swap3A_653 = tpu.vector_load %arg8[%swap3A_650, %swap3A_651, %swap3A_652] {strides = array<i32>} : memref<2x16x768xf32, #tpu.memory_space<vmem>>, vector<1x1x16xf32>,
        %swap3A_654 = vector.shape_cast %swap3A_653 : vector<1x1x16xf32> to vector<16xf32>
        %swap3A_655 = vector.shape_cast %get3A_507 : vector<16xf32> to vector<1x1x16xf32>
        tpu.vector_store %arg8[%swap3A_650, %swap3A_651, %swap3A_652], %swap3A_655 {add = true, strides = array<i32>} : memref<2x16x768xf32, #tpu.memory_space<vmem>>, vector<1x1x16xf32>,
        %swap3A_656 = arith.constant 1 : i32
        %swap3A_657 = arith.index_cast %swap3A_656 : i32 to index
        %swap3A_658 = arith.index_cast %scan3A_132 : i32 to index
        %swap3A_659 = arith.constant 608 : index
        %swap3A_660 = tpu.vector_load %arg8[%swap3A_657, %swap3A_658, %swap3A_659] {strides = array<i32>} : memref<2x16x768xf32, #tpu.memory_space<vmem>>, vector<1x1x16xf32>,
        %swap3A_661 = vector.shape_cast %swap3A_660 : vector<1x1x16xf32> to vector<16xf32>
        %swap3A_662 = vector.shape_cast %get3A_512 : vector<16xf32> to vector<1x1x16xf32>
        tpu.vector_store %arg8[%swap3A_657, %swap3A_658, %swap3A_659], %swap3A_662 {add = true, strides = array<i32>} : memref<2x16x768xf32, #tpu.memory_space<vmem>>, vector<1x1x16xf32>,
        %swap3A_663 = arith.constant 1 : i32
        %swap3A_664 = arith.index_cast %swap3A_663 : i32 to index
        %swap3A_665 = arith.index_cast %scan3A_132 : i32 to index
        %swap3A_666 = arith.constant 624 : index
        %swap3A_667 = tpu.vector_load %arg8[%swap3A_664, %swap3A_665, %swap3A_666] {strides = array<i32>} : memref<2x16x768xf32, #tpu.memory_space<vmem>>, vector<1x1x16xf32>,
        %swap3A_668 = vector.shape_cast %swap3A_667 : vector<1x1x16xf32> to vector<16xf32>
        %swap3A_669 = vector.shape_cast %get3A_517 : vector<16xf32> to vector<1x1x16xf32>
        tpu.vector_store %arg8[%swap3A_664, %swap3A_665, %swap3A_666], %swap3A_669 {add = true, strides = array<i32>} : memref<2x16x768xf32, #tpu.memory_space<vmem>>, vector<1x1x16xf32>,
        %swap3A_670 = arith.constant 1 : i32
        %swap3A_671 = arith.index_cast %swap3A_670 : i32 to index
        %swap3A_672 = arith.index_cast %scan3A_132 : i32 to index
        %swap3A_673 = arith.constant 640 : index
        %swap3A_674 = tpu.vector_load %arg8[%swap3A_671, %swap3A_672, %swap3A_673] {strides = array<i32>} : memref<2x16x768xf32, #tpu.memory_space<vmem>>, vector<1x1x16xf32>,
        %swap3A_675 = vector.shape_cast %swap3A_674 : vector<1x1x16xf32> to vector<16xf32>
        %swap3A_676 = vector.shape_cast %get3A_578 : vector<16xf32> to vector<1x1x16xf32>
        tpu.vector_store %arg8[%swap3A_671, %swap3A_672, %swap3A_673], %swap3A_676 {add = true, strides = array<i32>} : memref<2x16x768xf32, #tpu.memory_space<vmem>>, vector<1x1x16xf32>,
        %swap3A_677 = arith.constant 1 : i32
        %swap3A_678 = arith.index_cast %swap3A_677 : i32 to index
        %swap3A_679 = arith.index_cast %scan3A_132 : i32 to index
        %swap3A_680 = arith.constant 656 : index
        %swap3A_681 = tpu.vector_load %arg8[%swap3A_678, %swap3A_679, %swap3A_680] {strides = array<i32>} : memref<2x16x768xf32, #tpu.memory_space<vmem>>, vector<1x1x16xf32>,
        %swap3A_682 = vector.shape_cast %swap3A_681 : vector<1x1x16xf32> to vector<16xf32>
        %swap3A_683 = vector.shape_cast %get3A_583 : vector<16xf32> to vector<1x1x16xf32>
        tpu.vector_store %arg8[%swap3A_678, %swap3A_679, %swap3A_680], %swap3A_683 {add = true, strides = array<i32>} : memref<2x16x768xf32, #tpu.memory_space<vmem>>, vector<1x1x16xf32>,
        %swap3A_684 = arith.constant 1 : i32
        %swap3A_685 = arith.index_cast %swap3A_684 : i32 to index
        %swap3A_686 = arith.index_cast %scan3A_132 : i32 to index
        %swap3A_687 = arith.constant 672 : index
        %swap3A_688 = tpu.vector_load %arg8[%swap3A_685, %swap3A_686, %swap3A_687] {strides = array<i32>} : memref<2x16x768xf32, #tpu.memory_space<vmem>>, vector<1x1x16xf32>,
        %swap3A_689 = vector.shape_cast %swap3A_688 : vector<1x1x16xf32> to vector<16xf32>
        %swap3A_690 = vector.shape_cast %get3A_588 : vector<16xf32> to vector<1x1x16xf32>
        tpu.vector_store %arg8[%swap3A_685, %swap3A_686, %swap3A_687], %swap3A_690 {add = true, strides = array<i32>} : memref<2x16x768xf32, #tpu.memory_space<vmem>>, vector<1x1x16xf32>,
        %swap3A_691 = arith.constant 1 : i32
        %swap3A_692 = arith.index_cast %swap3A_691 : i32 to index
        %swap3A_693 = arith.index_cast %scan3A_132 : i32 to index
        %swap3A_694 = arith.constant 688 : index
        %swap3A_695 = tpu.vector_load %arg8[%swap3A_692, %swap3A_693, %swap3A_694] {strides = array<i32>} : memref<2x16x768xf32, #tpu.memory_space<vmem>>, vector<1x1x16xf32>,
        %swap3A_696 = vector.shape_cast %swap3A_695 : vector<1x1x16xf32> to vector<16xf32>
        %swap3A_697 = vector.shape_cast %get3A_593 : vector<16xf32> to vector<1x1x16xf32>
        tpu.vector_store %arg8[%swap3A_692, %swap3A_693, %swap3A_694], %swap3A_697 {add = true, strides = array<i32>} : memref<2x16x768xf32, #tpu.memory_space<vmem>>, vector<1x1x16xf32>,
        %swap3A_698 = arith.constant 1 : i32
        %swap3A_699 = arith.index_cast %swap3A_698 : i32 to index
        %swap3A_700 = arith.index_cast %scan3A_132 : i32 to index
        %swap3A_701 = arith.constant 704 : index
        %swap3A_702 = tpu.vector_load %arg8[%swap3A_699, %swap3A_700, %swap3A_701] {strides = array<i32>} : memref<2x16x768xf32, #tpu.memory_space<vmem>>, vector<1x1x16xf32>,
        %swap3A_703 = vector.shape_cast %swap3A_702 : vector<1x1x16xf32> to vector<16xf32>
        %swap3A_704 = vector.shape_cast %get3A_598 : vector<16xf32> to vector<1x1x16xf32>
        tpu.vector_store %arg8[%swap3A_699, %swap3A_700, %swap3A_701], %swap3A_704 {add = true, strides = array<i32>} : memref<2x16x768xf32, #tpu.memory_space<vmem>>, vector<1x1x16xf32>,
        %swap3A_705 = arith.constant 1 : i32
        %swap3A_706 = arith.index_cast %swap3A_705 : i32 to index
        %swap3A_707 = arith.index_cast %scan3A_132 : i32 to index
        %swap3A_708 = arith.constant 720 : index
        %swap3A_709 = tpu.vector_load %arg8[%swap3A_706, %swap3A_707, %swap3A_708] {strides = array<i32>} : memref<2x16x768xf32, #tpu.memory_space<vmem>>, vector<1x1x16xf32>,
        %swap3A_710 = vector.shape_cast %swap3A_709 : vector<1x1x16xf32> to vector<16xf32>
        %swap3A_711 = vector.shape_cast %get3A_603 : vector<16xf32> to vector<1x1x16xf32>
        tpu.vector_store %arg8[%swap3A_706, %swap3A_707, %swap3A_708], %swap3A_711 {add = true, strides = array<i32>} : memref<2x16x768xf32, #tpu.memory_space<vmem>>, vector<1x1x16xf32>,
        %swap3A_712 = arith.constant 1 : i32
        %swap3A_713 = arith.index_cast %swap3A_712 : i32 to index
        %swap3A_714 = arith.index_cast %scan3A_132 : i32 to index
        %swap3A_715 = arith.constant 736 : index
        %swap3A_716 = tpu.vector_load %arg8[%swap3A_713, %swap3A_714, %swap3A_715] {strides = array<i32>} : memref<2x16x768xf32, #tpu.memory_space<vmem>>, vector<1x1x16xf32>,
        %swap3A_717 = vector.shape_cast %swap3A_716 : vector<1x1x16xf32> to vector<16xf32>
        %swap3A_718 = vector.shape_cast %get3A_608 : vector<16xf32> to vector<1x1x16xf32>
        tpu.vector_store %arg8[%swap3A_713, %swap3A_714, %swap3A_715], %swap3A_718 {add = true, strides = array<i32>} : memref<2x16x768xf32, #tpu.memory_space<vmem>>, vector<1x1x16xf32>,
        %swap3A_719 = arith.constant 1 : i32
        %swap3A_720 = arith.index_cast %swap3A_719 : i32 to index
        %swap3A_721 = arith.index_cast %scan3A_132 : i32 to index
        %swap3A_722 = arith.constant 752 : index
        %swap3A_723 = tpu.vector_load %arg8[%swap3A_720, %swap3A_721, %swap3A_722] {strides = array<i32>} : memref<2x16x768xf32, #tpu.memory_space<vmem>>, vector<1x1x16xf32>,
        %swap3A_724 = vector.shape_cast %swap3A_723 : vector<1x1x16xf32> to vector<16xf32>
        %swap3A_725 = vector.shape_cast %get3A_613 : vector<16xf32> to vector<1x1x16xf32>
        tpu.vector_store %arg8[%swap3A_720, %swap3A_721, %swap3A_722], %swap3A_725 {add = true, strides = array<i32>} : memref<2x16x768xf32, #tpu.memory_space<vmem>>, vector<1x1x16xf32>,
      }
      %scan3A_115 = arith.constant 16 : i32
      %mul3A_116 = arith.constant 16 : i32
      %mul3A_117 = arith.muli %add3A_83, %mul3A_116 : i32
      %add3A_118 = arith.addi %mul3A_2, %mul3A_117 : i32
      %dma_start3A_119 = arith.constant 1 : i32
      %dma_start3A_120 = arith.constant 0 : i32
      %dma_start3A_121 = arith.constant 0 : i32
      %dma_start3A_122 = tpu.memref_slice %arg8[%dma_start3A_119, %dma_start3A_120, %dma_start3A_121] : memref<2x16x768xf32, #tpu.memory_space<vmem>> -> memref<1x16x768xf32, #tpu.memory_space<vmem>>
      %dma_start3A_123 = tpu.memref_squeeze %dma_start3A_122 : memref<1x16x768xf32, #tpu.memory_space<vmem>> -> memref<16x768xf32, #tpu.memory_space<vmem>>
      %dma_start3A_124 = arith.constant 0 : i32
      %dma_start3A_125 = tpu.memref_slice %arg5[%add3A_118, %dma_start3A_124] : memref<78848x768xf32, #tpu.memory_space<hbm>> -> memref<16x768xf32, #tpu.memory_space<hbm>>
      %dma_start3A_126 = arith.constant 0 : i32
      %dma_start3A_127 = tpu.memref_slice %arg5[%add3A_118, %dma_start3A_126] : memref<78848x768xf32, #tpu.memory_space<hbm>> -> memref<16x768xf32, #tpu.memory_space<hbm>>
      %dma_start3A_128 = arith.constant 0 : i32
      %dma_start3A_129 = arith.constant 0 : i32
      %dma_start3A_130 = tpu.memref_slice %arg8[%dma_start3A_119, %dma_start3A_128, %dma_start3A_129] : memref<2x16x768xf32, #tpu.memory_space<vmem>> -> memref<1x16x768xf32, #tpu.memory_space<vmem>>
      %dma_start3A_131 = tpu.memref_squeeze %dma_start3A_130 : memref<1x16x768xf32, #tpu.memory_space<vmem>> -> memref<16x768xf32, #tpu.memory_space<vmem>>
      tpu.enqueue_dma source(%dma_start3A_131 : memref<16x768xf32, #tpu.memory_space<vmem>>) target(%dma_start3A_127 : memref<16x768xf32, #tpu.memory_space<hbm>>) target_semaphore(%arg12 : memref<!tpu.dma_semaphore, #tpu.memory_space<semaphore_mem>>)
    }
    %scan3A_16 = arith.constant 77 : i32
    %add3A_17 = arith.constant 2448 : i32
    %add3A_18 = arith.addi %mul3A_2, %add3A_17 : i32
    %dma_wait3A = arith.constant 1 : i32
    %dma_wait3A_19 = arith.constant 0 : i32
    %dma_wait3A_20 = arith.constant 0 : i32
    %dma_wait3A_21 = tpu.memref_slice %arg8[%dma_wait3A, %dma_wait3A_19, %dma_wait3A_20] : memref<2x16x768xf32, #tpu.memory_space<vmem>> -> memref<1x16x768xf32, #tpu.memory_space<vmem>>
    %dma_wait3A_22 = tpu.memref_squeeze %dma_wait3A_21 : memref<1x16x768xf32, #tpu.memory_space<vmem>> -> memref<16x768xf32, #tpu.memory_space<vmem>>
    %dma_wait3A_23 = arith.constant 0 : i32
    %dma_wait3A_24 = tpu.memref_slice %arg5[%add3A_18, %dma_wait3A_23] : memref<78848x768xf32, #tpu.memory_space<hbm>> -> memref<16x768xf32, #tpu.memory_space<hbm>>
    %dma_wait3A_25 = arith.constant 0 : i32
    %dma_wait3A_26 = tpu.memref_slice %arg5[%add3A_18, %dma_wait3A_25] : memref<78848x768xf32, #tpu.memory_space<hbm>> -> memref<16x768xf32, #tpu.memory_space<hbm>>
    %dma_wait3A_27 = arith.constant 0 : i32
    %dma_wait3A_28 = arith.constant 0 : i32
    %dma_wait3A_29 = tpu.memref_slice %arg8[%dma_wait3A, %dma_wait3A_27, %dma_wait3A_28] : memref<2x16x768xf32, #tpu.memory_space<vmem>> -> memref<1x16x768xf32, #tpu.memory_space<vmem>>
    %dma_wait3A_30 = tpu.memref_squeeze %dma_wait3A_29 : memref<1x16x768xf32, #tpu.memory_space<vmem>> -> memref<16x768xf32, #tpu.memory_space<vmem>>
    tpu.wait_dma2 semaphore(%arg12 : memref<!tpu.dma_semaphore, #tpu.memory_space<semaphore_mem>>) src(%dma_wait3A_30 : memref<16x768xf32, #tpu.memory_space<vmem>>) dst(%dma_wait3A_26 : memref<16x768xf32, #tpu.memory_space<hbm>>)
    return
  }
}

</mosaic_0001>

<sc_bundles>
// kernel: kernel.3.cloned.1.call-start
scs
__scs_entry_jumppad:
0x0: {  	(pc) =	sbr.rel $0x88, $3  }
0x1: {  	(tag) =	ssettag $0x0;
	lr =	simm.s32 $0x1  }
0x2: {  	[smem:$0x3F9E] =	sst lr;
	_ =	strace $0xD0000000  }
0x3: {  	_ = 	snop  }
0x4: {  	_ = 	snop  }
0x5: {  	_ = 	snop  }
0x6: {  	_ = 	snop  }
0x7: {  	_ = 	snop  }
__scs_overlays_trampoline_lowered:
0x8: {  	[smem:$0x3FAD] =	sst s0  }
0x9: {  	[smem:$0x3FAE] =	sst s1  }
0xa: {  	[smem:$0x3FAF] =	sst s2  }
0xb: {  	[smem:$0x3FB0] =	sst s3  }
0xc: {  	[smem:$0x3FB1] =	sst s4  }
0xd: {  	[smem:$0x3FB2] =	sst s5  }
0xe: {  	[smem:$0x3FB3] =	sst s6  }
0xf: {  	[smem:$0x3FB4] =	sst s7  }
0x10: {  	[smem:$0x3FB5] =	sst s8  }
0x11: {  	[smem:$0x3FB6] =	sst s9;
	s0 =	simm.s32 @!p0 $0x0  }
0x12: {  	s1 =	sld [smem:$0x3F9C];
	s0 =	simm.s32 @p0 $0x1  }
0x13: {  	[smem:$0x3FB7] =	sst s0;
	s0 =	simm.s32 @!p1 $0x0  }
0x14: {  	s2 =	sld [smem:$0x3F9B];
	s0 =	simm.s32 @p1 $0x1  }
0x15: {  	[smem:$0x3FB8] =	sst s0;
	s0 =	simm.s32 @!p2 $0x0  }
0x16: {  	s3 =	sld [smem:$0x3FDB];
	s0 =	simm.s32 @p2 $0x1  }
0x17: {  	s4 =	simm.s32 $0x1BF5;
	[smem:$0x3FBA] =	sst s0  }
0x18: {  	s0 =	sld [smem:$0x3F9D];
	_ =	swait.ge [sflag:s4], $0x0  }
0x19: {  	s7 =	sld [smem:$0x3F9E]  }
0x1a: {  	s8 =	sadd.s32 $0xFFFFE003, lr  }
0x1b: {  	s9 =	sadd.s32 $0xFFFFFEF7, lr;
	s5 =	simm.s32 $0xFFFFFFFF;
	p2 =	slt.u32 s8, $0xFFFFF086  }
0x1c: {  	p1 =	slt.u32 s9, $0xF7A;
	s5 =	simm.s32 @!p2 $0x0  }
0x1d: {  	s5 =	simm.s32 @p1 $0x1;
	p0 =	seq.s32 s7, s2  }
0x1e: {  	s7 =	smul.u32 @!p0 $0xF7A, s2;
	p2 =	seq.s32 @!p0 s5, $0x0  }
0x1f: {  	s9 =	smul.u32 $0xF7A, s1;
	s8 =	simm.s32 @!p0 $0x1BF5;
	p2 =	por !p2, p0  }
0x20: {  	[sflag:s8] =	ssyncset.s32 @!p0 $0xFFFFF086;
	s6 =	sadd.s32 @!p0 s3, s7;
	s7 =	simm.s32 @!p0 $0x108  }
0x21: {  	s3 =	sadd.s32 s3, s9;
	s6 =	sadd.s32 @!p0 $0x88, s6;
	s7 =	simm.s32 @p2 $0x1082  }
0x22: {  	[simem:s7], [sflag:s8] =	dma.local @!p0 [hbm:s6], $0xF7A  }
0x23: {  	s9 =	sor.u32 $0xD0000000, s2;
	s6 =	simm.s32 $0x108;
	_ =	swait.ge @!p0 [sflag:s8], $0x0  }
0x24: {  	s3 =	sadd.s32 $0x88, s3;
	s6 =	simm.s32 @!p1 $0x1082;
	[sflag:s4] =	ssyncset.s32 $0xFFFFF086  }
0x25: {  	[simem:s6], [sflag:s4] =	dma.local [hbm:s3], $0xF7A  }
0x26: {  	[smem:$0x3F9E] =	sst s1;
	(tag) =	ssettag s2;
	_ =	strace s9  }
0x27: {  	s1 =	sld [smem:$0x3FAE]  }
0x28: {  	s2 =	sld [smem:$0x3FAF]  }
0x29: {  	s4 =	sld [smem:$0x3FB1]  }
0x2a: {  	p0 =	seq.s32 s5, $0x0;
	s5 =	sld [smem:$0x3FB2]  }
0x2b: {  	s6 =	sld [smem:$0x3FB3]  }
0x2c: {  	s7 =	sld [smem:$0x3FB4]  }
0x2d: {  	s3 =	simm.s32 $0x108;
	s8 =	sld [smem:$0x3FB5]  }
0x2e: {  	s3 =	simm.s32 @!p0 $0x1082;
	s9 =	sld [smem:$0x3FB6]  }
0x2f: {  	lr =	sadd.s32 s0, s3;
	s0 =	sld [smem:$0x3FAD]  }
0x30: {  	s3 =	sld [smem:$0x3FB0]  }
0x31: {  	[smem:$0x3FB9] =	sst s10  }
0x32: {  	s10 =	sld [smem:$0x3FB7];
	_ =	sdelay $0x3  }
0x33: {  	p0 =	seq.s32 s10, $0x1;
	s10 =	sld [smem:$0x3FB9];
	_ =	sdelay $0x3  }
0x34: {  	[smem:$0x3FB9] =	sst s10  }
0x35: {  	s10 =	sld [smem:$0x3FB8];
	_ =	sdelay $0x3  }
0x36: {  	p1 =	seq.s32 s10, $0x1;
	s10 =	sld [smem:$0x3FB9];
	_ =	sdelay $0x3  }
0x37: {  	[smem:$0x3FB9] =	sst s10  }
0x38: {  	s10 =	sld [smem:$0x3FBA]  }
0x39: {  	_ = 	snop;
	(pc) =	sbr.ind lr, $3  }
0x3a: {  	_ = 	snop  }
0x3b: {  	_ = 	snop  }
0x3c: {  	p2 =	seq.s32 s10, $0x1;
	s10 =	sld [smem:$0x3FB9]  }
0x3d: {  	_ =	shalt  }
0x3e: {  	_ =	shalt  }
0x3f: {  	_ =	shalt  }
0x40: {  	_ =	shalt  }
0x41: {  	_ =	shalt  }
0x42: {  	_ =	shalt  }
0x43: {  	_ =	shalt  }
0x44: {  	_ =	shalt  }
0x45: {  	_ =	shalt  }
0x46: {  	_ =	shalt  }
0x47: {  	_ =	shalt  }
0x48: {  	_ =	shalt  }
0x49: {  	_ =	shalt  }
0x4a: {  	_ =	shalt  }
0x4b: {  	_ =	shalt  }
0x4c: {  	_ =	shalt  }
0x4d: {  	_ =	shalt  }
0x4e: {  	_ =	shalt  }
0x4f: {  	_ =	shalt  }
0x50: {  	_ =	shalt  }
0x51: {  	_ =	shalt  }
0x52: {  	_ =	shalt  }
0x53: {  	_ =	shalt  }
0x54: {  	_ =	shalt  }
0x55: {  	_ =	shalt  }
0x56: {  	_ =	shalt  }
0x57: {  	_ =	shalt  }
0x58: {  	_ =	shalt  }
0x59: {  	_ =	shalt  }
0x5a: {  	_ =	shalt  }
0x5b: {  	_ =	shalt  }
0x5c: {  	_ =	shalt  }
0x5d: {  	_ =	shalt  }
0x5e: {  	_ =	shalt  }
0x5f: {  	_ =	shalt  }
0x60: {  	_ =	shalt  }
0x61: {  	_ =	shalt  }
0x62: {  	_ =	shalt  }
0x63: {  	_ =	shalt  }
0x64: {  	_ =	shalt  }
0x65: {  	_ =	shalt  }
0x66: {  	_ =	shalt  }
0x67: {  	_ =	shalt  }
0x68: {  	_ =	shalt  }
0x69: {  	_ =	shalt  }
0x6a: {  	_ =	shalt  }
0x6b: {  	_ =	shalt  }
0x6c: {  	_ =	shalt  }
0x6d: {  	_ =	shalt  }
0x6e: {  	_ =	shalt  }
0x6f: {  	_ =	shalt  }
0x70: {  	_ =	shalt  }
0x71: {  	_ =	shalt  }
0x72: {  	_ =	shalt  }
0x73: {  	_ =	shalt  }
0x74: {  	_ =	shalt  }
0x75: {  	_ =	shalt  }
0x76: {  	_ =	shalt  }
0x77: {  	_ =	shalt  }
0x78: {  	_ =	shalt  }
0x79: {  	_ =	shalt  }
0x7a: {  	_ =	shalt  }
0x7b: {  	_ =	shalt  }
0x7c: {  	_ =	shalt  }
0x7d: {  	_ =	shalt  }
0x7e: {  	_ =	shalt  }
0x7f: {  	_ =	shalt  }
0x80: {  	_ =	shalt  }
0x81: {  	_ =	shalt  }
0x82: {  	_ =	shalt  }
0x83: {  	_ =	shalt  }
0x84: {  	_ =	shalt  }
0x85: {  	_ =	shalt  }
0x86: {  	_ =	shalt  }
0x87: {  	_ =	shalt  }
.Lfunc_end0:
.L_simem_size_0:
called_computation_lowered:
.L_overlay_start_0:
0x88: {  	s2 =	sld [smem:$0x3FD9]  }
0x89: {  	s3 =	sld [smem:$0x3FFE];
	_ =	sdelay $0x1  }
0x8a: {  	s1 =	srdreg.scid  }
0x8b: {  	s0 =	sand.u32 $0x1, s1  }
0x8c: {  	s17 =	sshll.u32 s0, $0xA;
	s2 =	sadd.s32 s3, s2  }
0x8d: {  	s2 =	sadd.s32 s2, s17  }
0x8e: {  	[smem:$0x3FC5] =	sst s2  }
0x8f: {  	_ = 	snop  }
0x90: {  	s2 =	sld [smem:$0x3FC8]  }
0x91: {  	s18 =	sld [smem:$0x3FD0];
	(tm) =	ssettm $0x1  }
0x92: {  	s4 =	sld [smem:$0x3FFB];
	_ =	sdelay $0x3  }
0x93: {  	_ =	strace s4  }
0x94: {  	s4 =	sld [smem:$0x3FFC];
	_ =	sdelay $0x3  }
0x95: {  	_ =	strace s4  }
0x96: {  	s4 =	sld [smem:$0x3FFD];
	_ =	sdelay $0x3  }
0x97: {  	_ =	strace s4  }
0x98: {  	_ =	strace $0x8FFFFFFF  }
0x99: {  	s19 =	sld [smem:$0x3FDB];
	_ =	sdelay $0x1  }
0x9a: {  	s5 =	simm.s32 $_scs_section_size  }
0x9b: {  	s6 =	simm.s32 $_size__tile_overlayer_lowered;
	s7 =	simm.s32 $_tile_overlayer_lowered  }
0x9c: {  	s22 =	simm.s32 $0x1BFF;
	s21 =	sshll.u32 s7, $0x1;
	s4 =	sadd.s32 s5, s19  }
0x9d: {  	s8 =	simm.s32 $0x0;
	s20 =	sshll.u32 s6, $0x1;
	s6 =	sadd.s32 s21, s4  }
0x9e: {  	[timem:s8], [sflag:s22] =	dma.local [hbm:s6], s20  }
0x9f: {  	_ =	swait.ge [sflag:s22], s20  }
0xa0: {  	s5 =	ssub.s32 $0x0, s20;
	[sflag:s22] =	ssyncset.done $0x0  }
0xa1: {  	[sflag:s22] =	ssyncadd.s32 s5;
	_ =	sdelay $0x1  }
0xa2: {  	s23 =	simm.s32 $0x1B8B  }
0xa3: {  	_ =	swait.ge [sflag:s23], $0x1  }
0xa4: {  	[sflag:s23] =	ssyncset.done $0x0  }
0xa5: {  	s25 =	simm.s32 $0x1B8E;
	s24 =	sld [smem:$0x3FFE];
	[sflag:s23] =	ssyncadd.s32 $0xFFFFFFFF  }
0xa6: {  	s26 =	simm.s32 $execute0_lowered;
	[smem:$0x3FD2] =	sst s25  }
0xa7: {  	s6 =	sshll.u32 s26, $0x1;
	_ =	strace $0x80000046;
	[dreg:$0x1] =	wrdreg $0xFFFFFFFF  }
0xa8: {  	s28 =	simm.s32 $_size_execute0_lowered;
	s4 =	sadd.s32 s4, s6;
	[dreg:$0x0] =	wrdreg $0x0  }
0xa9: {  	s6 =	sshll.u32 s28, $0x1;
	[dreg:$0x2] =	wrdreg s4  }
0xaa: {  	[dreg:$0x3] =	wrdreg s6  }
0xab: {  	[dreg:$0x4] =	wrdreg $0xC0  }
0xac: {  	_ =	task [dreg:s8], $0x5FFFF  }
0xad: {  	[dreg:$0x1] =	wrdreg $0xFFFFFFFF  }
0xae: {  	[dreg:$0x0] =	wrdreg $0x60  }
0xaf: {  	[dreg:$0x2] =	wrdreg s24  }
0xb0: {  	[dreg:$0x3] =	wrdreg s2  }
0xb1: {  	[dreg:$0x4] =	wrdreg s18  }
0xb2: {  	[dreg:$0x5] =	wrdreg $0x9  }
0xb3: {  	_ =	task.clear_ibuf [dreg:s8], $0x6FFFF;
	_ =	strace $0x90000046  }
0xb4: {  	s29 =	simm.s32 $0x9;
	_ =	strace $0x80000048  }
0xb5: {  	_ =	swait.ge [sflag:s29], $0x1  }
0xb6: {  	[sflag:s29] =	ssyncadd.s32 $0xFFFFFFFF  }
0xb7: {  	_ =	strace $0x90000048  }
0xb8: {  	_ =	sfence  }
0xb9: {  	s30 =	sld [smem:$0x0];
	_ =	sdelay $0x2  }
0xba: {  	s31 =	sshll.u32 s1, $0xD;
	s1 =	sshrl.u32 s1, $0x2  }
0xbb: {  	s3 =	sand.u32 $0x4000, s31;
	s1 =	sadd.s32 s1, s30  }
0xbc: {  	s0 =	sor.u32 s3, s0;
	s1 =	sshll.u32 s1, $0x11  }
0xbd: {  	s0 =	sor.u32 s1, s0  }
0xbe: {  	s0 =	sadd.s32 $0x8F2B, s0  }
0xbf: {  	[sflag:s0] =	ssyncadd.remote.s32 $0x1  }
0xc0: {  	_ =	sfence.sel $0xFFFF  }
0xc1: {  	[dreg:$0x0] =	wrdreg $0xFFFFFFFF;
	(pc) =	sbr.abs _section_cstart, $3  }
0xc2: {  	[dreg:$0x1] =	wrdreg $0xFFFFFFFF  }
0xc3: {  	_ =	task.clear_ibuf [dreg:s8], $0x2FFFF;
	_ =	strace $0x9FFFFFFF  }
0xc4: {  	(tm) =	ssettm $0x7FFFFFFF  }
0xc5: {  	_ =	shalt  }
tec
execute0_lowered:
.L_overlay_start_1:
0x0: {  	(tag) =	ssettag $0x1  }
0x1: {  	s0 =	rddreg [dreg:$0x0];
	s1 =	srdreg.scid  }
0x2: {  	s3 =	stileid.u32;
	s2 =	rddreg [dreg:$0x1];
	s11 =	simm.s32 $0x5  }
0x3: {  	s13 =	simm.s32 $0xF100;
	s19 =	simm.s32 $0x12100;
	s20 =	simm.s32 $0x12900  }
0x4: {  	s21 =	simm.s32 $0x13100;
	s22 =	simm.s32 $0x13900;
	s23 =	simm.s32 $0x14100  }
0x5: {  	s24 =	simm.s32 $0x14900;
	s1 =	sand.u32 $0x1, s1;
	s4 =	sshll.u32 s3, $0x1  }
0x6: {  	s25 =	simm.s32 $0x1;
	s28 =	simm.s32 $0x2;
	s5 =	sor.u32 s1, s4  }
0x7: {  	s29 =	simm.s32 $0x4;
	s30 =	simm.s32 $0x0;
	s5 =	smul.u32 $0x9A0, s5  }
0x8: {  	s3 =	rddreg [dreg:$0x2];
	s4 =	simm.s32 $0x0;
	s1 =	ssub.s32 $0x2, s1  }
0x9: {  	[smem:$0x7FF] =	sst s4;
	s26 =	sshrl.u32 s1, $0x1;
	s6 =	sshrl.u32 s5, $0x3  }
0xa: {  	_ =	strace $0x80000047;
	s7 =	sadd.s32 s6, s0;
	s0 =	sadd.s32 $0x400, s0  }
0xb: {  	v2 =	vlaneseq.u32;
	[dreg:$0x4] =	wrdreg s0;
	s0 =	ssub.s32 s1, s26;
	s31 =	sadd.s32 $0x2200, s7  }
0xc: {  	vm0 =	vmmov $0xffff;
	s8 =	sadd.s32 $0x100, s2;
	v1 =	vshrl.u32 v2, $0x3;
	[dreg:$0x5] =	wrdreg s31;
	s0 =	smax.u32 s0, $0x1  }
0xd: {  	s9 =	sadd.s32 $0x200, s2;
	v0 =	vand.u32 $0x7, v2;
	v2 =	vor.u32 $0x8, v2;
	v1 =	vmul.u32 $0x8, v1;
	s26 =	simm.s32 $0x3;
	[dreg:$0x6] =	wrdreg s0  }
.LBB2_1:
0xe: {  	s0 =	rddreg [dreg:$0x5]  }
0xf: {  	[tilespmem:s4], [sflag:$0x5] =	stream.linear.gather [hbm4b:s0+s4], $0x9A0, $0x38;
	[tilespmem:$0x15100] =	vst v63  }
0x10: {  	_ =	swait.ge [sflag:s11], $0x9A0  }
0x11: {  	[sflag:s11] =	ssyncset.done $0x0  }
0x12: {  	s1 =	simm.s32 $0xA00;
	s12 =	rddreg [dreg:$0x4];
	[sflag:s11] =	ssyncadd.s32 $0xFFFFF660  }
0x13: {  	[tilespmem:s1], [sflag:$0x5] =	stream.linear.gather [hbm4b:s12+s4], $0xE700, $0x38;
	[tilespmem:$0x15100] =	vst v63  }
0x14: {  	_ =	swait.ge [sflag:s11], $0xE700  }
0x15: {  	[sflag:s11] =	ssyncset.done $0x0  }
0x16: {  	[sflag:s11] =	ssyncadd.s32 $0xFFFF1900  }
0x17: {  	v3 =	vld [tilespmem:$0x0];
	_ =	sdelay $0x4  }
0x18: {  	v4 =	vshrl.u32 v3, $0x3  }
0x19: {  	v4 =	vmul.u32 $0x30, v4  }
0x1a: {  	v3 =	vand.u32 $0x7, v3  }
0x1b: {  	v3 =	vor.u32 v3, v4  }
0x1c: {  	v4 =	vperm.xlane v3, v0;
	_ =	sdelay $0x1  }
0x1d: {  	v4 =	vadd.s32 v1, v4;
	_ =	sdelay $0x3  }
0x1e: {  	v3 =	vperm.xlane v3, v2  }
0x1f: {  	[tilespmem:s13], [sflag:$0x1] =	stream.indirect_vreg.gather [hbm4b:s2+s4], $0x80, v4, vm0, $0xb8;
	[tilespmem:$0x15100] =	vst v63  }
0x20: {  	s14 =	simm.s32 $0xF900;
	v3 =	vadd.s32 v1, v3  }
0x21: {  	[tilespmem:s14], [sflag:$0x1] =	stream.indirect_vreg.gather [hbm4b:s8+s4], $0x80, v4, vm0, $0xb8;
	[tilespmem:$0x15100] =	vst v63  }
0x22: {  	s15 =	simm.s32 $0x10100  }
0x23: {  	[tilespmem:s15], [sflag:$0x1] =	stream.indirect_vreg.gather [hbm4b:s9+s4], $0x80, v4, vm0, $0xb8;
	[tilespmem:$0x15100] =	vst v63  }
0x24: {  	s16 =	simm.s32 $0x10900  }
0x25: {  	[tilespmem:s16], [sflag:$0x1] =	stream.indirect_vreg.gather [hbm4b:s2+s4], $0x80, v3, vm0, $0xb8;
	[tilespmem:$0x15100] =	vst v63  }
0x26: {  	s17 =	simm.s32 $0x11100  }
0x27: {  	[tilespmem:s17], [sflag:$0x1] =	stream.indirect_vreg.gather [hbm4b:s8+s4], $0x80, v3, vm0, $0xb8;
	[tilespmem:$0x15100] =	vst v63  }
0x28: {  	s18 =	simm.s32 $0x11900;
	s31 =	simm.s32 $0x0  }
0x29: {  	[tilespmem:s18], [sflag:$0x1] =	stream.indirect_vreg.gather [hbm4b:s9+s4], $0x80, v3, vm0, $0xb8;
	[tilespmem:$0x15100] =	vst v63  }
.LBB2_2:
0x2a: {  	p0 =	seq.s32 s31, $0x0  }
0x2b: {  	s0 =	sshll.u32 s31, $0x1;
	s12 =	simm.s32 @!p0 $0x4  }
0x2c: {  	s0 =	sor.u32 $0x1, s0;
	_ =	swait.ge @!p0 [sflag:s12], $0x3000  }
0x2d: {  	s1 =	sshll.u32 s0, $0x4;
	[sflag:s12] =	ssyncset.done @!p0 $0x0  }
0x2e: {  	s0 =	sand.u32 $0x3FFFFFF0, s1;
	[sflag:s12] =	ssyncadd.s32 @!p0 $0xFFFFD000  }
0x2f: {  	v3 =	vld [tilespmem:s0+$0x0];
	_ =	sdelay $0x4  }
0x30: {  	v4 =	vshrl.u32 v3, $0x3  }
0x31: {  	v4 =	vmul.u32 $0x30, v4  }
0x32: {  	v3 =	vand.u32 $0x7, v3  }
0x33: {  	v3 =	vor.u32 v3, v4  }
0x34: {  	v4 =	vperm.xlane v3, v0;
	_ =	sdelay $0x1  }
0x35: {  	v4 =	vadd.s32 v1, v4;
	_ =	sdelay $0x3  }
0x36: {  	s14 =	simm.s32 $0x0;
	v3 =	vperm.xlane v3, v2  }
0x37: {  	[tilespmem:s19], [sflag:$0x2] =	stream.indirect_vreg.gather [hbm4b:s2+s14], $0x80, v4, vm0, $0xb8;
	[tilespmem:$0x15100] =	vst v63  }
0x38: {  	v3 =	vadd.s32 v1, v3  }
0x39: {  	[tilespmem:s20], [sflag:$0x2] =	stream.indirect_vreg.gather [hbm4b:s8+s14], $0x80, v4, vm0, $0xb8;
	[tilespmem:$0x15100] =	vst v63  }
0x3a: {  	_ = 	snop  }
0x3b: {  	[tilespmem:s21], [sflag:$0x2] =	stream.indirect_vreg.gather [hbm4b:s9+s14], $0x80, v4, vm0, $0xb8;
	[tilespmem:$0x15100] =	vst v63  }
0x3c: {  	s17 =	sshll.u32 s31, $0x5  }
0x3d: {  	[tilespmem:s22], [sflag:$0x2] =	stream.indirect_vreg.gather [hbm4b:s2+s14], $0x80, v3, vm0, $0xb8;
	[tilespmem:$0x15100] =	vst v63  }
0x3e: {  	s0 =	sadd.s32 s5, s17  }
0x3f: {  	[tilespmem:s23], [sflag:$0x2] =	stream.indirect_vreg.gather [hbm4b:s8+s14], $0x80, v3, vm0, $0xb8;
	[tilespmem:$0x15100] =	vst v63  }
0x40: {  	s18 =	sshrl.u32 s0, $0xA  }
0x41: {  	[tilespmem:s24], [sflag:$0x2] =	stream.indirect_vreg.gather [hbm4b:s9+s14], $0x80, v3, vm0, $0xb8;
	[tilespmem:$0x15100] =	vst v63  }
0x42: {  	s12 =	smul.u32 $0xC00, s18;
	_ =	swait.ge [sflag:s25], $0x3000  }
0x43: {  	[sflag:s25] =	ssyncset.done $0x0  }
0x44: {  	s12 =	sshra.s32 s12, $0x2;
	[sflag:s25] =	ssyncadd.s32 $0xFFFFD000  }
0x45: {  	v3 =	vld [tilespmem:s12+$0xAF0]  }
0x46: {  	v4 =	vld [tilespmem:s12+$0xAE0]  }
0x47: {  	v6 =	vld [tilespmem:s12+$0xAD0]  }
0x48: {  	v10 =	vld [tilespmem:s12+$0xAC0]  }
0x49: {  	v11 =	vld [tilespmem:s12+$0xAB0]  }
0x4a: {  	v16 =	vld [tilespmem:s12+$0xAA0]  }
0x4b: {  	v17 =	vld [tilespmem:s12+$0xA90]  }
0x4c: {  	v18 =	vld [tilespmem:s12+$0xA80]  }
0x4d: {  	v5 =	vld [tilespmem:s12+$0xA50]  }
0x4e: {  	v7 =	vld [tilespmem:s12+$0xA40]  }
0x4f: {  	v8 =	vld [tilespmem:s12+$0xA30]  }
0x50: {  	s15 =	simm.s32 $0x0;
	v9 =	vld [tilespmem:s12+$0xA70]  }
0x51: {  	s15 =	smul.u32 $0x6000, s15;
	v12 =	vld [tilespmem:s12+$0xA60]  }
0x52: {  	v13 =	vld [tilespmem:s12+$0xA00]  }
0x53: {  	s16 =	sand.u32 $0x380, s14;
	s15 =	sshra.s32 s15, $0x2;
	v14 =	vld [tilespmem:s12+$0xA20]  }
0x54: {  	s15 =	sor.u32 s16, s15;
	v15 =	vld [tilespmem:s12+$0xA10]  }
0x55: {  	[tilespmem:s15+$0xF170] =	vst.add.f32.msk $0xffff, v9  }
0x56: {  	[tilespmem:s15+$0xF160] =	vst.add.f32.msk $0xffff, v12  }
0x57: {  	[tilespmem:s15+$0xF100] =	vst.add.f32.msk $0xffff, v13  }
0x58: {  	[tilespmem:s15+$0xF120] =	vst.add.f32.msk $0xffff, v14  }
0x59: {  	[tilespmem:s15+$0xF130] =	vst.add.f32.msk $0xffff, v8  }
0x5a: {  	[tilespmem:s15+$0xF140] =	vst.add.f32.msk $0xffff, v7  }
0x5b: {  	[tilespmem:s15+$0xF110] =	vst.add.f32.msk $0xffff, v15  }
0x5c: {  	[tilespmem:s15+$0xF150] =	vst.add.f32.msk $0xffff, v5  }
0x5d: {  	v7 =	vld [tilespmem:s12+$0xB60]  }
0x5e: {  	v12 =	vld [tilespmem:s12+$0xB70]  }
0x5f: {  	v5 =	vld [tilespmem:s12+$0xB30]  }
0x60: {  	v13 =	vld [tilespmem:s12+$0xB50]  }
0x61: {  	v14 =	vld [tilespmem:s12+$0xB40]  }
0x62: {  	v9 =	vld [tilespmem:s12+$0xB20]  }
0x63: {  	v8 =	vld [tilespmem:s12+$0xB00]  }
0x64: {  	v15 =	vld [tilespmem:s12+$0xB10]  }
0x65: {  	[tilespmem:s15+$0xF570] =	vst.add.f32.msk $0xffff, v3  }
0x66: {  	[tilespmem:s15+$0xF540] =	vst.add.f32.msk $0xffff, v10  }
0x67: {  	[tilespmem:s15+$0xF530] =	vst.add.f32.msk $0xffff, v11  }
0x68: {  	[tilespmem:s15+$0xF560] =	vst.add.f32.msk $0xffff, v4  }
0x69: {  	[tilespmem:s15+$0xF520] =	vst.add.f32.msk $0xffff, v16  }
0x6a: {  	[tilespmem:s15+$0xF550] =	vst.add.f32.msk $0xffff, v6  }
0x6b: {  	[tilespmem:s15+$0xF500] =	vst.add.f32.msk $0xffff, v18  }
0x6c: {  	[tilespmem:s15+$0xF510] =	vst.add.f32.msk $0xffff, v17  }
0x6d: {  	v10 =	vld [tilespmem:s12+$0xBE0]  }
0x6e: {  	v4 =	vld [tilespmem:s12+$0xBD0]  }
0x6f: {  	v3 =	vld [tilespmem:s12+$0xBA0]  }
0x70: {  	v6 =	vld [tilespmem:s12+$0xB90]  }
0x71: {  	v17 =	vld [tilespmem:s12+$0xBC0]  }
0x72: {  	v16 =	vld [tilespmem:s12+$0xBB0]  }
0x73: {  	s17 =	simm.s32 $0x1;
	s16 =	sadd.s32 $0x10500, s15;
	v11 =	vld [tilespmem:s12+$0xB80]  }
.LBB2_3:
0x74: {  	p0 =	sne.s32 s17, $0xF  }
0x75: {  	s14 =	sadd.s32 $0x80, s14;
	s18 =	smov.u32 s17;
	s17 =	sadd.s32 $0x1, s17  }
0x76: {  	_ = 	snop  }
0x77: {  	v18 =	vld [tilespmem:s12+$0xBF0]  }
0x78: {  	[tilespmem:s15+$0xF970] =	vst.add.f32.msk $0xffff, v12  }
0x79: {  	[tilespmem:s15+$0xF960] =	vst.add.f32.msk $0xffff, v7  }
0x7a: {  	[tilespmem:s15+$0xF950] =	vst.add.f32.msk $0xffff, v13  }
0x7b: {  	[tilespmem:s15+$0xF940] =	vst.add.f32.msk $0xffff, v14  }
0x7c: {  	[tilespmem:s15+$0xF930] =	vst.add.f32.msk $0xffff, v5  }
0x7d: {  	[tilespmem:s15+$0xF920] =	vst.add.f32.msk $0xffff, v9  }
0x7e: {  	[tilespmem:s15+$0xF910] =	vst.add.f32.msk $0xffff, v15  }
0x7f: {  	[tilespmem:s15+$0xF900] =	vst.add.f32.msk $0xffff, v8  }
0x80: {  	v5 =	vld [tilespmem:s12+$0xC60]  }
0x81: {  	v7 =	vld [tilespmem:s12+$0xC70]  }
0x82: {  	v8 =	vld [tilespmem:s12+$0xC50]  }
0x83: {  	v9 =	vld [tilespmem:s12+$0xC30]  }
0x84: {  	v12 =	vld [tilespmem:s12+$0xC40]  }
0x85: {  	v13 =	vld [tilespmem:s12+$0xC20]  }
0x86: {  	v14 =	vld [tilespmem:s12+$0xC10]  }
0x87: {  	v15 =	vld [tilespmem:s12+$0xC00]  }
0x88: {  	[tilespmem:s15+$0xFD60] =	vst.add.f32.msk $0xffff, v10  }
0x89: {  	[tilespmem:s15+$0xFD40] =	vst.add.f32.msk $0xffff, v17  }
0x8a: {  	[tilespmem:s15+$0xFD70] =	vst.add.f32.msk $0xffff, v18  }
0x8b: {  	[tilespmem:s15+$0xFD30] =	vst.add.f32.msk $0xffff, v16  }
0x8c: {  	[tilespmem:s15+$0xFD50] =	vst.add.f32.msk $0xffff, v4  }
0x8d: {  	[tilespmem:s15+$0xFD10] =	vst.add.f32.msk $0xffff, v6  }
0x8e: {  	[tilespmem:s15+$0xFD00] =	vst.add.f32.msk $0xffff, v11  }
0x8f: {  	[tilespmem:s15+$0xFD20] =	vst.add.f32.msk $0xffff, v3  }
0x90: {  	v3 =	vld [tilespmem:s12+$0xC80]  }
0x91: {  	v4 =	vld [tilespmem:s12+$0xC90]  }
0x92: {  	v6 =	vld [tilespmem:s12+$0xCA0]  }
0x93: {  	v10 =	vld [tilespmem:s12+$0xCC0]  }
0x94: {  	v11 =	vld [tilespmem:s12+$0xCD0]  }
0x95: {  	v16 =	vld [tilespmem:s12+$0xCE0]  }
0x96: {  	s6 =	sadd.s32 $0x10100, s15;
	v17 =	vld [tilespmem:s12+$0xCF0]  }
0x97: {  	s7 =	sor.u32 $0x10, s6;
	v18 =	vld [tilespmem:s12+$0xCB0]  }
0x98: {  	s10 =	sor.u32 $0x20, s6;
	[tilespmem:s15+$0x10100] =	vst.add.f32.msk $0xffff, v15  }
0x99: {  	[tilespmem:s7+$0x0] =	vst.add.f32.msk $0xffff, v14;
	s7 =	sor.u32 $0x30, s6  }
0x9a: {  	[tilespmem:s10+$0x0] =	vst.add.f32.msk $0xffff, v13;
	s10 =	sor.u32 $0x40, s6  }
0x9b: {  	[tilespmem:s7+$0x0] =	vst.add.f32.msk $0xffff, v9;
	s7 =	sor.u32 $0x50, s6  }
0x9c: {  	[tilespmem:s10+$0x0] =	vst.add.f32.msk $0xffff, v12;
	s10 =	sor.u32 $0x60, s6  }
0x9d: {  	s6 =	sor.u32 $0x70, s6;
	[tilespmem:s7+$0x0] =	vst.add.f32.msk $0xffff, v8  }
0x9e: {  	[tilespmem:s10+$0x0] =	vst.add.f32.msk $0xffff, v5  }
0x9f: {  	[tilespmem:s6+$0x0] =	vst.add.f32.msk $0xffff, v7;
	s6 =	sor.u32 $0x10, s16  }
0xa0: {  	s7 =	sor.u32 $0x20, s16;
	[tilespmem:s15+$0x10500] =	vst.add.f32.msk $0xffff, v3  }
0xa1: {  	[tilespmem:s6+$0x0] =	vst.add.f32.msk $0xffff, v4;
	s6 =	sor.u32 $0x30, s16  }
0xa2: {  	[tilespmem:s7+$0x0] =	vst.add.f32.msk $0xffff, v6;
	s7 =	sor.u32 $0x40, s16  }
0xa3: {  	[tilespmem:s6+$0x0] =	vst.add.f32.msk $0xffff, v18;
	s6 =	sor.u32 $0x50, s16  }
0xa4: {  	[tilespmem:s7+$0x0] =	vst.add.f32.msk $0xffff, v10;
	s7 =	sor.u32 $0x60, s16  }
0xa5: {  	[tilespmem:s6+$0x0] =	vst.add.f32.msk $0xffff, v11;
	s6 =	sor.u32 $0x70, s16  }
0xa6: {  	[tilespmem:s7+$0x0] =	vst.add.f32.msk $0xffff, v16  }
0xa7: {  	[tilespmem:s6+$0x0] =	vst.add.f32.msk $0xffff, v17  }
0xa8: {  	v3 =	vld [tilespmem:s12+$0xAF0]  }
0xa9: {  	v4 =	vld [tilespmem:s12+$0xAE0]  }
0xaa: {  	v6 =	vld [tilespmem:s12+$0xAD0]  }
0xab: {  	v10 =	vld [tilespmem:s12+$0xAC0]  }
0xac: {  	v11 =	vld [tilespmem:s12+$0xAB0]  }
0xad: {  	v16 =	vld [tilespmem:s12+$0xAA0]  }
0xae: {  	v17 =	vld [tilespmem:s12+$0xA90]  }
0xaf: {  	v18 =	vld [tilespmem:s12+$0xA80]  }
0xb0: {  	v5 =	vld [tilespmem:s12+$0xA50]  }
0xb1: {  	v7 =	vld [tilespmem:s12+$0xA40]  }
0xb2: {  	v8 =	vld [tilespmem:s12+$0xA30]  }
0xb3: {  	s6 =	sshrl.u32 s18, $0x3;
	v9 =	vld [tilespmem:s12+$0xA70]  }
0xb4: {  	s6 =	smul.u32 $0x6000, s6;
	v12 =	vld [tilespmem:s12+$0xA60]  }
0xb5: {  	v13 =	vld [tilespmem:s12+$0xA00]  }
0xb6: {  	s7 =	sand.u32 $0x380, s14;
	s6 =	sshra.s32 s6, $0x2;
	v14 =	vld [tilespmem:s12+$0xA20]  }
0xb7: {  	s15 =	sor.u32 s7, s6;
	v15 =	vld [tilespmem:s12+$0xA10]  }
0xb8: {  	s16 =	sadd.s32 $0x10500, s15;
	[tilespmem:s15+$0xF170] =	vst.add.f32.msk $0xffff, v9  }
0xb9: {  	[tilespmem:s15+$0xF160] =	vst.add.f32.msk $0xffff, v12  }
0xba: {  	[tilespmem:s15+$0xF100] =	vst.add.f32.msk $0xffff, v13  }
0xbb: {  	[tilespmem:s15+$0xF120] =	vst.add.f32.msk $0xffff, v14  }
0xbc: {  	[tilespmem:s15+$0xF130] =	vst.add.f32.msk $0xffff, v8  }
0xbd: {  	[tilespmem:s15+$0xF140] =	vst.add.f32.msk $0xffff, v7  }
0xbe: {  	[tilespmem:s15+$0xF110] =	vst.add.f32.msk $0xffff, v15  }
0xbf: {  	[tilespmem:s15+$0xF150] =	vst.add.f32.msk $0xffff, v5  }
0xc0: {  	v7 =	vld [tilespmem:s12+$0xB60]  }
0xc1: {  	v12 =	vld [tilespmem:s12+$0xB70]  }
0xc2: {  	v5 =	vld [tilespmem:s12+$0xB30]  }
0xc3: {  	v13 =	vld [tilespmem:s12+$0xB50]  }
0xc4: {  	v14 =	vld [tilespmem:s12+$0xB40]  }
0xc5: {  	v9 =	vld [tilespmem:s12+$0xB20]  }
0xc6: {  	v8 =	vld [tilespmem:s12+$0xB00]  }
0xc7: {  	v15 =	vld [tilespmem:s12+$0xB10]  }
0xc8: {  	[tilespmem:s15+$0xF570] =	vst.add.f32.msk $0xffff, v3  }
0xc9: {  	[tilespmem:s15+$0xF540] =	vst.add.f32.msk $0xffff, v10  }
0xca: {  	[tilespmem:s15+$0xF530] =	vst.add.f32.msk $0xffff, v11  }
0xcb: {  	[tilespmem:s15+$0xF560] =	vst.add.f32.msk $0xffff, v4  }
0xcc: {  	[tilespmem:s15+$0xF520] =	vst.add.f32.msk $0xffff, v16  }
0xcd: {  	[tilespmem:s15+$0xF550] =	vst.add.f32.msk $0xffff, v6  }
0xce: {  	[tilespmem:s15+$0xF500] =	vst.add.f32.msk $0xffff, v18  }
0xcf: {  	[tilespmem:s15+$0xF510] =	vst.add.f32.msk $0xffff, v17  }
0xd0: {  	v10 =	vld [tilespmem:s12+$0xBE0]  }
0xd1: {  	v4 =	vld [tilespmem:s12+$0xBD0]  }
.Ltmp0:
0xd2: {  	v3 =	vld [tilespmem:s12+$0xBA0];
	(pc) =	sbr.rel @p0 .LBB2_3-.Ltmp0, $4  }
0xd3: {  	v6 =	vld [tilespmem:s12+$0xB90]  }
0xd4: {  	v17 =	vld [tilespmem:s12+$0xBC0]  }
0xd5: {  	v16 =	vld [tilespmem:s12+$0xBB0]  }
0xd6: {  	v11 =	vld [tilespmem:s12+$0xB80]  }
0xd7: {  	v18 =	vld [tilespmem:s12+$0xBF0]  }
0xd8: {  	[tilespmem:s15+$0xF970] =	vst.add.f32.msk $0xffff, v12  }
0xd9: {  	[tilespmem:s15+$0xF960] =	vst.add.f32.msk $0xffff, v7  }
0xda: {  	[tilespmem:s15+$0xF950] =	vst.add.f32.msk $0xffff, v13  }
0xdb: {  	[tilespmem:s15+$0xF940] =	vst.add.f32.msk $0xffff, v14  }
0xdc: {  	[tilespmem:s15+$0xF930] =	vst.add.f32.msk $0xffff, v5  }
0xdd: {  	[tilespmem:s15+$0xF920] =	vst.add.f32.msk $0xffff, v9  }
0xde: {  	[tilespmem:s15+$0xF910] =	vst.add.f32.msk $0xffff, v15  }
0xdf: {  	[tilespmem:s15+$0xF900] =	vst.add.f32.msk $0xffff, v8  }
0xe0: {  	v5 =	vld [tilespmem:s12+$0xC60]  }
0xe1: {  	v7 =	vld [tilespmem:s12+$0xC70]  }
0xe2: {  	v8 =	vld [tilespmem:s12+$0xC50]  }
0xe3: {  	v9 =	vld [tilespmem:s12+$0xC30]  }
0xe4: {  	v12 =	vld [tilespmem:s12+$0xC40]  }
0xe5: {  	v13 =	vld [tilespmem:s12+$0xC20]  }
0xe6: {  	v14 =	vld [tilespmem:s12+$0xC10]  }
0xe7: {  	v15 =	vld [tilespmem:s12+$0xC00]  }
0xe8: {  	[tilespmem:s15+$0xFD60] =	vst.add.f32.msk $0xffff, v10  }
0xe9: {  	[tilespmem:s15+$0xFD50] =	vst.add.f32.msk $0xffff, v4  }
0xea: {  	[tilespmem:s15+$0xFD10] =	vst.add.f32.msk $0xffff, v6  }
0xeb: {  	[tilespmem:s15+$0xFD20] =	vst.add.f32.msk $0xffff, v3  }
0xec: {  	[tilespmem:s15+$0xFD40] =	vst.add.f32.msk $0xffff, v17  }
0xed: {  	[tilespmem:s15+$0xFD30] =	vst.add.f32.msk $0xffff, v16  }
0xee: {  	[tilespmem:s15+$0xFD00] =	vst.add.f32.msk $0xffff, v11  }
0xef: {  	[tilespmem:s15+$0xFD70] =	vst.add.f32.msk $0xffff, v18  }
0xf0: {  	v3 =	vld [tilespmem:s12+$0xC80]  }
0xf1: {  	v4 =	vld [tilespmem:s12+$0xC90]  }
0xf2: {  	v6 =	vld [tilespmem:s12+$0xCA0]  }
0xf3: {  	v10 =	vld [tilespmem:s12+$0xCC0]  }
0xf4: {  	v11 =	vld [tilespmem:s12+$0xCD0]  }
0xf5: {  	v16 =	vld [tilespmem:s12+$0xCE0]  }
0xf6: {  	v17 =	vld [tilespmem:s12+$0xCF0]  }
0xf7: {  	s6 =	sadd.s32 $0x10100, s15;
	v18 =	vld [tilespmem:s12+$0xCB0]  }
0xf8: {  	s7 =	sor.u32 $0x10, s6;
	[tilespmem:s15+$0x10100] =	vst.add.f32.msk $0xffff, v15  }
0xf9: {  	s10 =	sor.u32 $0x20, s6;
	[tilespmem:s7+$0x0] =	vst.add.f32.msk $0xffff, v14  }
0xfa: {  	s12 =	sor.u32 $0x30, s6;
	[tilespmem:s10+$0x0] =	vst.add.f32.msk $0xffff, v13  }
0xfb: {  	s14 =	sor.u32 $0x40, s6;
	[tilespmem:s12+$0x0] =	vst.add.f32.msk $0xffff, v9  }
0xfc: {  	s17 =	sor.u32 $0x50, s6;
	[tilespmem:s14+$0x0] =	vst.add.f32.msk $0xffff, v12  }
0xfd: {  	s18 =	sor.u32 $0x60, s6;
	[tilespmem:s17+$0x0] =	vst.add.f32.msk $0xffff, v8  }
0xfe: {  	s6 =	sor.u32 $0x70, s6;
	[tilespmem:s18+$0x0] =	vst.add.f32.msk $0xffff, v5  }
0xff: {  	[tilespmem:s6+$0x0] =	vst.add.f32.msk $0xffff, v7  }
0x100: {  	s10 =	sor.u32 $0x10, s16;
	[tilespmem:s15+$0x10500] =	vst.add.f32.msk $0xffff, v3  }
0x101: {  	s12 =	sor.u32 $0x20, s16;
	[tilespmem:s10+$0x0] =	vst.add.f32.msk $0xffff, v4  }
0x102: {  	s14 =	sor.u32 $0x30, s16;
	[tilespmem:s12+$0x0] =	vst.add.f32.msk $0xffff, v6  }
0x103: {  	s15 =	sor.u32 $0x40, s16;
	[tilespmem:s14+$0x0] =	vst.add.f32.msk $0xffff, v18  }
0x104: {  	s0 =	sshrl.u32 s0, $0x3;
	s17 =	sor.u32 $0x50, s16;
	[tilespmem:s15+$0x0] =	vst.add.f32.msk $0xffff, v10  }
0x105: {  	s0 =	smul.u32 $0x300, s0;
	s18 =	sor.u32 $0x60, s16;
	[tilespmem:s17+$0x0] =	vst.add.f32.msk $0xffff, v11  }
0x106: {  	s10 =	sor.u32 $0x70, s16;
	[tilespmem:s18+$0x0] =	vst.add.f32.msk $0xffff, v16  }
0x107: {  	s0 =	sadd.s32 s3, s0;
	[tilespmem:s10+$0x0] =	vst.add.f32.msk $0xffff, v17  }
0x108: {  	[hbm4b:s0+s4] =	stream.linear.scatter [tilespmem:s13], [sflag:$0x3], $0x3000, $0x38;
	[tilespmem:$0x15100] =	vst v63  }
0x109: {  	p0 =	seq.s32 s31, $0x4C;
	_ =	swait.ge [sflag:s26], $0x3000  }
0x10a: {  	s0 =	sshll.u32 @!p0 s31, $0x5;
	[sflag:s26] =	ssyncset.done $0x0  }
0x10b: {  	s0 =	sand.u32 @!p0 $0x3FFFFFE0, s0;
	[sflag:s26] =	ssyncadd.s32 $0xFFFFD000  }
0x10c: {  	v3 =	vld @!p0 [tilespmem:s0+$0x20];
	_ =	sdelay $0x4  }
0x10d: {  	v4 =	vshrl.u32 @!p0 v3, $0x3  }
0x10e: {  	v4 =	vmul.u32 @!p0 $0x30, v4  }
0x10f: {  	v5 =	vlaneseq.u32 @!p0;
	v3 =	vand.u32 @!p0 $0x7, v3  }
0x110: {  	v6 =	vshrl.u32 @!p0 v5, $0x3;
	v3 =	vor.u32 @!p0 v3, v4;
	v4 =	vand.u32 @!p0 $0x7, v5  }
0x111: {  	v6 =	vmul.u32 @!p0 $0x8, v6;
	v4 =	vperm.xlane @!p0 v3, v4;
	_ =	sdelay $0x1  }
0x112: {  	v4 =	vadd.s32 @!p0 v6, v4;
	_ =	sdelay $0x2  }
0x113: {  	v5 =	vor.u32 @!p0 $0x8, v5  }
0x114: {  	vm1 =	vmmov @!p0 $0xffff;
	s6 =	simm.s32 @!p0 $0xF100;
	s0 =	simm.s32 @!p0 $0x0;
	v3 =	vperm.xlane @!p0 v3, v5  }
0x115: {  	[tilespmem:s6], [sflag:$0x1] =	stream.indirect_vreg.gather @!p0 [hbm4b:s2+s0], $0x80, v4, vm1, $0xb8;
	[tilespmem:$0x15100] =	vst v63  }
0x116: {  	v3 =	vadd.s32 @!p0 v6, v3;
	s6 =	simm.s32 @!p0 $0xF900  }
0x117: {  	[tilespmem:s6], [sflag:$0x1] =	stream.indirect_vreg.gather @!p0 [hbm4b:s8+s0], $0x80, v4, vm1, $0xb8;
	[tilespmem:$0x15100] =	vst v63  }
0x118: {  	s6 =	simm.s32 @!p0 $0x10100  }
0x119: {  	[tilespmem:s6], [sflag:$0x1] =	stream.indirect_vreg.gather @!p0 [hbm4b:s9+s0], $0x80, v4, vm1, $0xb8;
	[tilespmem:$0x15100] =	vst v63  }
0x11a: {  	s6 =	simm.s32 @!p0 $0x10900  }
0x11b: {  	[tilespmem:s6], [sflag:$0x1] =	stream.indirect_vreg.gather @!p0 [hbm4b:s2+s0], $0x80, v3, vm1, $0xb8;
	[tilespmem:$0x15100] =	vst v63  }
0x11c: {  	s1 =	sadd.s32 s5, s1;
	s6 =	simm.s32 @!p0 $0x11100  }
0x11d: {  	[tilespmem:s6], [sflag:$0x1] =	stream.indirect_vreg.gather @!p0 [hbm4b:s8+s0], $0x80, v3, vm1, $0xb8;
	[tilespmem:$0x15100] =	vst v63  }
0x11e: {  	s12 =	sshrl.u32 s1, $0xA;
	s6 =	simm.s32 @!p0 $0x11900  }
0x11f: {  	[tilespmem:s6], [sflag:$0x1] =	stream.indirect_vreg.gather @!p0 [hbm4b:s9+s0], $0x80, v3, vm1, $0xb8;
	[tilespmem:$0x15100] =	vst v63  }
0x120: {  	s0 =	smul.u32 $0xC00, s12;
	_ =	swait.ge [sflag:s28], $0x3000  }
0x121: {  	[sflag:s28] =	ssyncset.done $0x0  }
0x122: {  	s0 =	sshra.s32 s0, $0x2;
	[sflag:s28] =	ssyncadd.s32 $0xFFFFD000  }
0x123: {  	v3 =	vld [tilespmem:s0+$0xAF0]  }
0x124: {  	v4 =	vld [tilespmem:s0+$0xAE0]  }
0x125: {  	v5 =	vld [tilespmem:s0+$0xAD0]  }
0x126: {  	v6 =	vld [tilespmem:s0+$0xAC0]  }
0x127: {  	v7 =	vld [tilespmem:s0+$0xAB0]  }
0x128: {  	v8 =	vld [tilespmem:s0+$0xAA0]  }
0x129: {  	v9 =	vld [tilespmem:s0+$0xA90]  }
0x12a: {  	v10 =	vld [tilespmem:s0+$0xA80]  }
0x12b: {  	v11 =	vld [tilespmem:s0+$0xA70]  }
0x12c: {  	v57 =	vld [tilespmem:s0+$0xA60]  }
0x12d: {  	v58 =	vld [tilespmem:s0+$0xA50]  }
0x12e: {  	s14 =	simm.s32 $0x0;
	v59 =	vld [tilespmem:s0+$0xA00]  }
0x12f: {  	s16 =	smul.u32 $0x1800, s14;
	s12 =	simm.s32 $0x0;
	v60 =	vld [tilespmem:s0+$0xA10]  }
0x130: {  	s15 =	sand.u32 $0x380, s12;
	v61 =	vld [tilespmem:s0+$0xA20]  }
0x131: {  	s14 =	sor.u32 s15, s16;
	v62 =	vld [tilespmem:s0+$0xA30]  }
0x132: {  	s6 =	sadd.s32 $0x12100, s14;
	v63 =	vld [tilespmem:s0+$0xA40]  }
0x133: {  	s17 =	sor.u32 $0x10, s6;
	[tilespmem:s14+$0x12100] =	vst.add.f32.msk $0xffff, v59  }
0x134: {  	s18 =	sor.u32 $0x20, s6;
	[tilespmem:s17+$0x0] =	vst.add.f32.msk $0xffff, v60  }
0x135: {  	s10 =	sor.u32 $0x30, s6;
	[tilespmem:s18+$0x0] =	vst.add.f32.msk $0xffff, v61  }
0x136: {  	s15 =	sor.u32 $0x40, s6;
	[tilespmem:s10+$0x0] =	vst.add.f32.msk $0xffff, v62  }
0x137: {  	s17 =	sor.u32 $0x50, s6;
	[tilespmem:s15+$0x0] =	vst.add.f32.msk $0xffff, v63  }
0x138: {  	s18 =	sor.u32 $0x60, s6;
	[tilespmem:s17+$0x0] =	vst.add.f32.msk $0xffff, v58  }
0x139: {  	s6 =	sor.u32 $0x70, s6;
	[tilespmem:s18+$0x0] =	vst.add.f32.msk $0xffff, v57  }
0x13a: {  	[tilespmem:s6+$0x0] =	vst.add.f32.msk $0xffff, v11  }
0x13b: {  	v11 =	vld [tilespmem:s0+$0xB70]  }
0x13c: {  	v12 =	vld [tilespmem:s0+$0xB60]  }
0x13d: {  	v13 =	vld [tilespmem:s0+$0xB30]  }
0x13e: {  	v14 =	vld [tilespmem:s0+$0xB50]  }
0x13f: {  	v15 =	vld [tilespmem:s0+$0xB40]  }
0x140: {  	v16 =	vld [tilespmem:s0+$0xB20]  }
0x141: {  	v17 =	vld [tilespmem:s0+$0xB00]  }
0x142: {  	s6 =	sadd.s32 $0x12500, s14;
	v18 =	vld [tilespmem:s0+$0xB10]  }
0x143: {  	[tilespmem:s14+$0x12500] =	vst.add.f32.msk $0xffff, v10;
	s10 =	sor.u32 $0x10, s6  }
0x144: {  	s15 =	sor.u32 $0x20, s6;
	[tilespmem:s10+$0x0] =	vst.add.f32.msk $0xffff, v9  }
0x145: {  	s17 =	sor.u32 $0x30, s6;
	[tilespmem:s15+$0x0] =	vst.add.f32.msk $0xffff, v8  }
0x146: {  	s18 =	sor.u32 $0x40, s6;
	[tilespmem:s17+$0x0] =	vst.add.f32.msk $0xffff, v7  }
0x147: {  	s10 =	sor.u32 $0x50, s6;
	[tilespmem:s18+$0x0] =	vst.add.f32.msk $0xffff, v6  }
0x148: {  	s15 =	sor.u32 $0x60, s6;
	[tilespmem:s10+$0x0] =	vst.add.f32.msk $0xffff, v5  }
0x149: {  	s6 =	sor.u32 $0x70, s6;
	[tilespmem:s15+$0x0] =	vst.add.f32.msk $0xffff, v4  }
0x14a: {  	[tilespmem:s6+$0x0] =	vst.add.f32.msk $0xffff, v3  }
0x14b: {  	v3 =	vld [tilespmem:s0+$0xBF0]  }
0x14c: {  	v4 =	vld [tilespmem:s0+$0xBE0]  }
0x14d: {  	v5 =	vld [tilespmem:s0+$0xBC0]  }
0x14e: {  	v7 =	vld [tilespmem:s0+$0xBA0]  }
0x14f: {  	v6 =	vld [tilespmem:s0+$0xBD0]  }
0x150: {  	v9 =	vld [tilespmem:s0+$0xB90]  }
0x151: {  	v10 =	vld [tilespmem:s0+$0xB80]  }
0x152: {  	s6 =	sadd.s32 $0x12900, s14;
	v8 =	vld [tilespmem:s0+$0xBB0]  }
0x153: {  	[tilespmem:s14+$0x12900] =	vst.add.f32.msk $0xffff, v17;
	s17 =	sor.u32 $0x10, s6  }
0x154: {  	s18 =	sor.u32 $0x20, s6;
	[tilespmem:s17+$0x0] =	vst.add.f32.msk $0xffff, v18  }
0x155: {  	s10 =	sor.u32 $0x30, s6;
	[tilespmem:s18+$0x0] =	vst.add.f32.msk $0xffff, v16  }
0x156: {  	s15 =	sor.u32 $0x40, s6;
	[tilespmem:s10+$0x0] =	vst.add.f32.msk $0xffff, v13  }
0x157: {  	s17 =	sor.u32 $0x50, s6;
	[tilespmem:s15+$0x0] =	vst.add.f32.msk $0xffff, v15  }
0x158: {  	s18 =	sor.u32 $0x60, s6;
	[tilespmem:s17+$0x0] =	vst.add.f32.msk $0xffff, v14  }
0x159: {  	s6 =	sor.u32 $0x70, s6;
	[tilespmem:s18+$0x0] =	vst.add.f32.msk $0xffff, v12  }
0x15a: {  	s16 =	sor.u32 s16, s12;
	s15 =	simm.s32 $0x1;
	s17 =	sadd.s32 $0x12D00, s14;
	[tilespmem:s6+$0x0] =	vst.add.f32.msk $0xffff, v11  }
.LBB2_5:
0x15b: {  	p0 =	sne.s32 s15, $0xF  }
0x15c: {  	s12 =	sadd.s32 $0x80, s12;
	s18 =	smov.u32 s15;
	s15 =	sadd.s32 $0x1, s15  }
0x15d: {  	_ = 	snop  }
0x15e: {  	v11 =	vld [tilespmem:s0+$0xC70]  }
0x15f: {  	v12 =	vld [tilespmem:s0+$0xC60]  }
0x160: {  	v13 =	vld [tilespmem:s0+$0xC50]  }
0x161: {  	v14 =	vld [tilespmem:s0+$0xC40]  }
0x162: {  	v15 =	vld [tilespmem:s0+$0xC30]  }
0x163: {  	v16 =	vld [tilespmem:s0+$0xC20]  }
0x164: {  	v17 =	vld [tilespmem:s0+$0xC10]  }
0x165: {  	v18 =	vld [tilespmem:s0+$0xC00]  }
0x166: {  	s6 =	sor.u32 $0x10, s17;
	[tilespmem:s14+$0x12D00] =	vst.add.f32.msk $0xffff, v10  }
0x167: {  	[tilespmem:s6+$0x0] =	vst.add.f32.msk $0xffff, v9;
	s6 =	sor.u32 $0x20, s17  }
0x168: {  	[tilespmem:s6+$0x0] =	vst.add.f32.msk $0xffff, v7;
	s6 =	sor.u32 $0x30, s17  }
0x169: {  	[tilespmem:s6+$0x0] =	vst.add.f32.msk $0xffff, v8;
	s6 =	sor.u32 $0x40, s17  }
0x16a: {  	[tilespmem:s6+$0x0] =	vst.add.f32.msk $0xffff, v5;
	s6 =	sor.u32 $0x50, s17  }
0x16b: {  	[tilespmem:s6+$0x0] =	vst.add.f32.msk $0xffff, v6;
	s6 =	sor.u32 $0x60, s17  }
0x16c: {  	[tilespmem:s6+$0x0] =	vst.add.f32.msk $0xffff, v4;
	s6 =	sor.u32 $0x70, s17  }
0x16d: {  	[tilespmem:s6+$0x0] =	vst.add.f32.msk $0xffff, v3  }
0x16e: {  	v3 =	vld [tilespmem:s0+$0xCF0]  }
0x16f: {  	v4 =	vld [tilespmem:s0+$0xCE0]  }
0x170: {  	v5 =	vld [tilespmem:s0+$0xCC0]  }
0x171: {  	v6 =	vld [tilespmem:s0+$0xCB0]  }
0x172: {  	v7 =	vld [tilespmem:s0+$0xCD0]  }
0x173: {  	v8 =	vld [tilespmem:s0+$0xC80]  }
0x174: {  	v9 =	vld [tilespmem:s0+$0xCA0]  }
0x175: {  	s6 =	sadd.s32 $0xF100, s14;
	v10 =	vld [tilespmem:s0+$0xC90]  }
0x176: {  	[tilespmem:s6+$0x4060] =	vst.add.f32.msk $0xffff, v12  }
0x177: {  	[tilespmem:s6+$0x4050] =	vst.add.f32.msk $0xffff, v13  }
0x178: {  	[tilespmem:s6+$0x4030] =	vst.add.f32.msk $0xffff, v15  }
0x179: {  	[tilespmem:s6+$0x4070] =	vst.add.f32.msk $0xffff, v11  }
0x17a: {  	[tilespmem:s6+$0x4020] =	vst.add.f32.msk $0xffff, v16  }
0x17b: {  	[tilespmem:s6+$0x4040] =	vst.add.f32.msk $0xffff, v14  }
0x17c: {  	[tilespmem:s6+$0x4010] =	vst.add.f32.msk $0xffff, v17  }
0x17d: {  	[tilespmem:s6+$0x4000] =	vst.add.f32.msk $0xffff, v18;
	s6 =	sor.u32 $0x4400, s16  }
0x17e: {  	[tilespmem:s6+$0xF100] =	vst.add.f32.msk $0xffff, v8  }
0x17f: {  	[tilespmem:s6+$0xF110] =	vst.add.f32.msk $0xffff, v10  }
0x180: {  	[tilespmem:s6+$0xF170] =	vst.add.f32.msk $0xffff, v3  }
0x181: {  	[tilespmem:s6+$0xF130] =	vst.add.f32.msk $0xffff, v6  }
0x182: {  	[tilespmem:s6+$0xF150] =	vst.add.f32.msk $0xffff, v7  }
0x183: {  	[tilespmem:s6+$0xF120] =	vst.add.f32.msk $0xffff, v9  }
0x184: {  	[tilespmem:s6+$0xF160] =	vst.add.f32.msk $0xffff, v4  }
0x185: {  	[tilespmem:s6+$0xF140] =	vst.add.f32.msk $0xffff, v5  }
0x186: {  	v3 =	vld [tilespmem:s0+$0xAF0]  }
0x187: {  	v4 =	vld [tilespmem:s0+$0xAE0]  }
0x188: {  	v5 =	vld [tilespmem:s0+$0xAD0]  }
0x189: {  	v6 =	vld [tilespmem:s0+$0xAC0]  }
0x18a: {  	v7 =	vld [tilespmem:s0+$0xAB0]  }
0x18b: {  	v8 =	vld [tilespmem:s0+$0xAA0]  }
0x18c: {  	v9 =	vld [tilespmem:s0+$0xA90]  }
0x18d: {  	v10 =	vld [tilespmem:s0+$0xA80]  }
0x18e: {  	v11 =	vld [tilespmem:s0+$0xA70]  }
0x18f: {  	v12 =	vld [tilespmem:s0+$0xA60]  }
0x190: {  	v13 =	vld [tilespmem:s0+$0xA50]  }
0x191: {  	s6 =	sshrl.u32 s18, $0x3;
	v14 =	vld [tilespmem:s0+$0xA00]  }
0x192: {  	s6 =	smul.u32 $0x1800, s6;
	v15 =	vld [tilespmem:s0+$0xA10]  }
0x193: {  	s7 =	sand.u32 $0x380, s12;
	v16 =	vld [tilespmem:s0+$0xA20]  }
0x194: {  	s14 =	sor.u32 s7, s6;
	s16 =	sor.u32 s6, s12;
	v17 =	vld [tilespmem:s0+$0xA30]  }
0x195: {  	s6 =	sadd.s32 $0x12100, s14;
	s7 =	sadd.s32 $0x12500, s14;
	s17 =	sadd.s32 $0x12D00, s14;
	v18 =	vld [tilespmem:s0+$0xA40]  }
0x196: {  	s10 =	sor.u32 $0x10, s6;
	[tilespmem:s14+$0x12100] =	vst.add.f32.msk $0xffff, v14  }
0x197: {  	[tilespmem:s10+$0x0] =	vst.add.f32.msk $0xffff, v15;
	s10 =	sor.u32 $0x20, s6  }
0x198: {  	[tilespmem:s10+$0x0] =	vst.add.f32.msk $0xffff, v16;
	s10 =	sor.u32 $0x30, s6  }
0x199: {  	[tilespmem:s10+$0x0] =	vst.add.f32.msk $0xffff, v17;
	s10 =	sor.u32 $0x40, s6  }
0x19a: {  	[tilespmem:s10+$0x0] =	vst.add.f32.msk $0xffff, v18;
	s10 =	sor.u32 $0x50, s6  }
0x19b: {  	[tilespmem:s10+$0x0] =	vst.add.f32.msk $0xffff, v13;
	s10 =	sor.u32 $0x60, s6  }
0x19c: {  	s6 =	sor.u32 $0x70, s6;
	[tilespmem:s10+$0x0] =	vst.add.f32.msk $0xffff, v12  }
0x19d: {  	[tilespmem:s6+$0x0] =	vst.add.f32.msk $0xffff, v11  }
0x19e: {  	v11 =	vld [tilespmem:s0+$0xB70]  }
0x19f: {  	v12 =	vld [tilespmem:s0+$0xB60]  }
0x1a0: {  	v13 =	vld [tilespmem:s0+$0xB30]  }
0x1a1: {  	v14 =	vld [tilespmem:s0+$0xB50]  }
0x1a2: {  	v15 =	vld [tilespmem:s0+$0xB40]  }
0x1a3: {  	v16 =	vld [tilespmem:s0+$0xB20]  }
0x1a4: {  	v17 =	vld [tilespmem:s0+$0xB00]  }
0x1a5: {  	v18 =	vld [tilespmem:s0+$0xB10]  }
0x1a6: {  	s6 =	sor.u32 $0x10, s7;
	[tilespmem:s14+$0x12500] =	vst.add.f32.msk $0xffff, v10  }
0x1a7: {  	[tilespmem:s6+$0x0] =	vst.add.f32.msk $0xffff, v9;
	s6 =	sor.u32 $0x20, s7  }
0x1a8: {  	[tilespmem:s6+$0x0] =	vst.add.f32.msk $0xffff, v8;
	s6 =	sor.u32 $0x30, s7  }
0x1a9: {  	[tilespmem:s6+$0x0] =	vst.add.f32.msk $0xffff, v7;
	s6 =	sor.u32 $0x40, s7  }
0x1aa: {  	[tilespmem:s6+$0x0] =	vst.add.f32.msk $0xffff, v6;
	s6 =	sor.u32 $0x50, s7  }
0x1ab: {  	[tilespmem:s6+$0x0] =	vst.add.f32.msk $0xffff, v5;
	s6 =	sor.u32 $0x60, s7  }
0x1ac: {  	[tilespmem:s6+$0x0] =	vst.add.f32.msk $0xffff, v4;
	s6 =	sor.u32 $0x70, s7  }
0x1ad: {  	[tilespmem:s6+$0x0] =	vst.add.f32.msk $0xffff, v3  }
0x1ae: {  	v3 =	vld [tilespmem:s0+$0xBF0]  }
0x1af: {  	v4 =	vld [tilespmem:s0+$0xBE0]  }
0x1b0: {  	v5 =	vld [tilespmem:s0+$0xBC0]  }
0x1b1: {  	v7 =	vld [tilespmem:s0+$0xBA0]  }
0x1b2: {  	v6 =	vld [tilespmem:s0+$0xBD0]  }
0x1b3: {  	v9 =	vld [tilespmem:s0+$0xB90]  }
0x1b4: {  	v10 =	vld [tilespmem:s0+$0xB80]  }
0x1b5: {  	s6 =	sadd.s32 $0x12900, s14;
	v8 =	vld [tilespmem:s0+$0xBB0]  }
0x1b6: {  	s7 =	sor.u32 $0x10, s6;
	[tilespmem:s14+$0x12900] =	vst.add.f32.msk $0xffff, v17  }
0x1b7: {  	[tilespmem:s7+$0x0] =	vst.add.f32.msk $0xffff, v18;
	s7 =	sor.u32 $0x20, s6  }
0x1b8: {  	[tilespmem:s7+$0x0] =	vst.add.f32.msk $0xffff, v16;
	s7 =	sor.u32 $0x30, s6  }
.Ltmp1:
0x1b9: {  	[tilespmem:s7+$0x0] =	vst.add.f32.msk $0xffff, v13;
	s7 =	sor.u32 $0x40, s6;
	(pc) =	sbr.rel @p0 .LBB2_5-.Ltmp1, $4  }
0x1ba: {  	[tilespmem:s7+$0x0] =	vst.add.f32.msk $0xffff, v15;
	s7 =	sor.u32 $0x50, s6  }
0x1bb: {  	[tilespmem:s7+$0x0] =	vst.add.f32.msk $0xffff, v14;
	s7 =	sor.u32 $0x60, s6  }
0x1bc: {  	s6 =	sor.u32 $0x70, s6;
	[tilespmem:s7+$0x0] =	vst.add.f32.msk $0xffff, v12  }
0x1bd: {  	[tilespmem:s6+$0x0] =	vst.add.f32.msk $0xffff, v11  }
0x1be: {  	v11 =	vld [tilespmem:s0+$0xC70]  }
0x1bf: {  	v12 =	vld [tilespmem:s0+$0xC60]  }
0x1c0: {  	v13 =	vld [tilespmem:s0+$0xC50]  }
0x1c1: {  	v14 =	vld [tilespmem:s0+$0xC40]  }
0x1c2: {  	v15 =	vld [tilespmem:s0+$0xC30]  }
0x1c3: {  	v16 =	vld [tilespmem:s0+$0xC20]  }
0x1c4: {  	v17 =	vld [tilespmem:s0+$0xC10]  }
0x1c5: {  	v18 =	vld [tilespmem:s0+$0xC00]  }
0x1c6: {  	[tilespmem:s14+$0x12D00] =	vst.add.f32.msk $0xffff, v10;
	s6 =	sor.u32 $0x10, s17  }
0x1c7: {  	s12 =	sor.u32 $0x20, s17;
	[tilespmem:s6+$0x0] =	vst.add.f32.msk $0xffff, v9  }
0x1c8: {  	s15 =	sor.u32 $0x30, s17;
	[tilespmem:s12+$0x0] =	vst.add.f32.msk $0xffff, v7  }
0x1c9: {  	s18 =	sor.u32 $0x40, s17;
	[tilespmem:s15+$0x0] =	vst.add.f32.msk $0xffff, v8  }
0x1ca: {  	s7 =	sor.u32 $0x50, s17;
	[tilespmem:s18+$0x0] =	vst.add.f32.msk $0xffff, v5  }
0x1cb: {  	s10 =	sor.u32 $0x60, s17;
	[tilespmem:s7+$0x0] =	vst.add.f32.msk $0xffff, v6  }
0x1cc: {  	s12 =	sor.u32 $0x70, s17;
	[tilespmem:s10+$0x0] =	vst.add.f32.msk $0xffff, v4  }
0x1cd: {  	[tilespmem:s12+$0x0] =	vst.add.f32.msk $0xffff, v3  }
0x1ce: {  	v3 =	vld [tilespmem:s0+$0xCF0]  }
0x1cf: {  	v4 =	vld [tilespmem:s0+$0xCE0]  }
0x1d0: {  	v5 =	vld [tilespmem:s0+$0xCC0]  }
0x1d1: {  	v6 =	vld [tilespmem:s0+$0xCB0]  }
0x1d2: {  	v7 =	vld [tilespmem:s0+$0xCD0]  }
0x1d3: {  	v8 =	vld [tilespmem:s0+$0xC80]  }
0x1d4: {  	v9 =	vld [tilespmem:s0+$0xCA0]  }
0x1d5: {  	s15 =	sadd.s32 $0xF100, s14;
	v10 =	vld [tilespmem:s0+$0xC90]  }
0x1d6: {  	[tilespmem:s15+$0x4060] =	vst.add.f32.msk $0xffff, v12  }
0x1d7: {  	[tilespmem:s15+$0x4050] =	vst.add.f32.msk $0xffff, v13  }
0x1d8: {  	[tilespmem:s15+$0x4030] =	vst.add.f32.msk $0xffff, v15  }
0x1d9: {  	[tilespmem:s15+$0x4070] =	vst.add.f32.msk $0xffff, v11  }
0x1da: {  	[tilespmem:s15+$0x4020] =	vst.add.f32.msk $0xffff, v16  }
0x1db: {  	[tilespmem:s15+$0x4040] =	vst.add.f32.msk $0xffff, v14  }
0x1dc: {  	[tilespmem:s15+$0x4010] =	vst.add.f32.msk $0xffff, v17  }
0x1dd: {  	s17 =	sor.u32 $0x4400, s16;
	[tilespmem:s15+$0x4000] =	vst.add.f32.msk $0xffff, v18  }
0x1de: {  	[tilespmem:s17+$0xF100] =	vst.add.f32.msk $0xffff, v8  }
0x1df: {  	[tilespmem:s17+$0xF110] =	vst.add.f32.msk $0xffff, v10  }
0x1e0: {  	s31 =	sadd.s32 $0x1, s31;
	[tilespmem:s17+$0xF170] =	vst.add.f32.msk $0xffff, v3  }
0x1e1: {  	p0 =	sne.s32 s31, $0x4D;
	[tilespmem:s17+$0xF130] =	vst.add.f32.msk $0xffff, v6  }
.Ltmp2:
0x1e2: {  	s1 =	sshrl.u32 s1, $0x3;
	[tilespmem:s17+$0xF150] =	vst.add.f32.msk $0xffff, v7;
	(pc) =	sbr.rel @p0 .LBB2_2-.Ltmp2, $4  }
0x1e3: {  	s1 =	smul.u32 $0x300, s1;
	[tilespmem:s17+$0xF120] =	vst.add.f32.msk $0xffff, v9  }
0x1e4: {  	[tilespmem:s17+$0xF160] =	vst.add.f32.msk $0xffff, v4  }
0x1e5: {  	s18 =	sadd.s32 s3, s1;
	[tilespmem:s17+$0xF140] =	vst.add.f32.msk $0xffff, v5  }
0x1e6: {  	[hbm4b:s18+s4] =	stream.linear.scatter [tilespmem:s19], [sflag:$0x4], $0x3000, $0x38;
	[tilespmem:$0x15100] =	vst v63  }
0x1e7: {  	_ =	swait.ge [sflag:s29], $0x3000  }
0x1e8: {  	s30 =	sadd.s32 $0x1, s30;
	s0 =	rddreg [dreg:$0x6]  }
0x1e9: {  	p0 =	sne.s32 s30, s0  }
.Ltmp3:
0x1ea: {  	_ = 	snop;
	(pc) =	sbr.rel @p0 .LBB2_1-.Ltmp3, $3  }
0x1eb: {  	_ =	sdelay $0x1  }
0x1ec: {  	[sflag:s29] =	ssyncset.done $0x0  }
0x1ed: {  	[sflag:s29] =	ssyncadd.s32 $0xFFFFD000  }
0x1ee: {  	_ =	sfence.sel $0x180000  }
0x1ef: {  	[bflag:$0x0] =	sbarrier.arrive $0xFFFF  }
0x1f0: {  	_ =	strace $0x90000047  }
0x1f1: {  	s0 =	stileid.u32;
	[bflag:$0x2] =	sbarrier.arrive $0xFFFF  }
0x1f2: {  	p0 =	sne.s32 s0, $0x0;
	s0 =	rddreg [dreg:$0x3]  }
0x1f3: {  	s0 =	sadd.s32 @!p0 $0x100000, s0  }
0x1f4: {  	[sflag:s0] =	ssyncadd.tile.s32 @!p0 $0x1;
	_ =	shalt  }
.Lfunc_end2:
_tile_overlayer_lowered:
.L_overlay_start_2:
0x1f5: {  	(tag) =	ssettag $0x2  }
0x1f6: {  	s0 =	rddreg [dreg:$0x0];
	s2 =	stileid.u32  }
0x1f7: {  	s1 =	rddreg [dreg:$0x1];
	p0 =	sne.s32 s2, $0x0  }
0x1f8: {  	s3 =	rddreg [dreg:$0x2];
	[bflag:$0x3] =	sbarrier.arrive $0xFFFF;
	s2 =	simm.s32 @!p0 $0x1C05  }
0x1f9: {  	[timem:s3], [sflag:s2] =	dma.local @!p0 [hbm:s0], s1  }
0x1fa: {  	s0 =	simm.s32 @!p0 $0x5  }
0x1fb: {  	_ =	swait.ge @!p0 [sflag:s0], s1  }
0x1fc: {  	s1 =	ssub.s32 @!p0 $0x0, s1;
	[sflag:s0] =	ssyncset.done @!p0 $0x0  }
0x1fd: {  	[sflag:s0] =	ssyncadd.s32 @!p0 s1  }
0x1fe: {  	[bflag:$0x3] =	sbarrier.arrive $0xFFFF  }
0x1ff: {  	_ =	shalt  }

</sc_bundles>
